<compile_context>
chip_gen: v7x
topology: tpu7x:2x2x1
jax: 0.10.2.dev20260603
libtpu: 0.0.44.dev20260713+nightly
codegen_flags: <defaults>
</compile_context>

<pallas_src>
import dataclasses

import jax
import jax.numpy as jnp
from jax import lax
from jax.experimental import pallas as pl
from jax.experimental.pallas import tpu as pltpu
from jax.experimental.pallas import tpu_sc as plsc

NC = 2
NS = 16
NW = NC * NS
K = 128


def _make_agg(NP, D, n_chunks, compute_deg):
    rows_pt = NP // NS

    mesh = plsc.VectorSubcoreMesh(
        core_axis_name="c", subcore_axis_name="s", num_cores=NC, num_subcores=NS
    )

    BF = 16

    out_type = [jax.ShapeDtypeStruct((NC, NP, D), jnp.float32)]
    scratch = [
        pltpu.VMEM((K, D), jnp.float32),
        pltpu.VMEM((BF * K,), jnp.int32),
        pltpu.VMEM((K,), jnp.int32),
        pltpu.VMEM((K,), jnp.int32),
        pltpu.VMEM_SHARED((NP, D), jnp.float32),
    ]
    if compute_deg:
        out_type.append(jax.ShapeDtypeStruct((NW * NP,), jnp.float32))
        scratch.append(pltpu.VMEM((NP,), jnp.float32))

    def body(feat_hbm, pk_hbm, out_hbm, *rest):
        if compute_deg:
            deg_hbm = rest[0]
            rest = rest[1:]
        rows_v, pk_v, src_v, dst_v, agg_sh = rest[:5]
        if compute_deg:
            deg_v = rest[5]
        c = lax.axis_index("c")
        s = lax.axis_index("s")
        wid = c * NS + s
        base = s * rows_pt
        ebase = wid * (n_chunks * K)
        ones16 = jnp.ones((16,), jnp.float32)

        @pl.loop(0, K)
        def _(r):
            @pl.loop(0, D, step=16)
            def _(cc):
                rows_v[r, pl.ds(cc, 16)] = jnp.zeros((16,), jnp.float32)

        @pl.loop(0, rows_pt, step=K)
        def _(r0):
            pltpu.sync_copy(rows_v, agg_sh.at[pl.ds(base + r0, K)])

        if compute_deg:
            @pl.loop(0, NP, step=16)
            def _(r0):
                deg_v[pl.ds(r0, 16)] = jnp.zeros((16,), jnp.float32)

        plsc.subcore_barrier()

        @pl.loop(0, n_chunks)
        def _(j):
            poff = lax.bitwise_and(j, jnp.int32(BF - 1)) * K

            @pl.when(poff == 0)
            def _():
                pltpu.sync_copy(pk_hbm.at[pl.ds(ebase + j * K, BF * K)], pk_v)

            @pl.loop(0, K, step=16)
            def _(t):
                p = pk_v[pl.ds(poff + t, 16)]
                sv = lax.bitwise_and(p, jnp.int32(0xFFFF))
                dv = lax.shift_right_logical(p, jnp.int32(16))
                src_v[pl.ds(t, 16)] = sv
                dst_v[pl.ds(t, 16)] = dv
                if compute_deg:
                    plsc.addupdate_scatter(deg_v, [dv], ones16)

            pltpu.sync_copy(feat_hbm.at[src_v], rows_v)
            pltpu.sync_copy(rows_v, agg_sh.at[dst_v], add=True)

        plsc.subcore_barrier()
        pltpu.sync_copy(
            agg_sh.at[pl.ds(base, rows_pt)], out_hbm.at[c, pl.ds(base, rows_pt)]
        )
        if compute_deg:
            pltpu.sync_copy(deg_v, deg_hbm.at[pl.ds(wid * NP, NP)])

    cp = pltpu.CompilerParams()
    if "needs_layout_passes" in pltpu.CompilerParams.__dataclass_fields__:
        cp = dataclasses.replace(cp, needs_layout_passes=False)
    return pl.kernel(
        body, out_type=out_type, mesh=mesh, scratch_types=scratch,
        compiler_params=cp,
    )


def _make_proj(NP, D, BN):

    def body(a_ref, d_ref, w_ref, b_ref, o_ref):
        a = a_ref[0] + a_ref[1]
        deg = jnp.sum(d_ref[...], axis=0)[:, None]
        inv = 1.0 / jnp.maximum(deg, 1.0)
        h = jnp.dot(a * inv, w_ref[...], preferred_element_type=jnp.float32)
        o_ref[...] = jnp.maximum(h + b_ref[...], 0.0)

    return pl.pallas_call(
        body,
        grid=(NP // BN,),
        in_specs=[
            pl.BlockSpec((NC, BN, D), lambda i: (0, i, 0)),
            pl.BlockSpec((NW, BN), lambda i: (0, i)),
            pl.BlockSpec((D, D), lambda i: (0, 0)),
            pl.BlockSpec((1, D), lambda i: (0, 0)),
        ],
        out_specs=pl.BlockSpec((BN, D), lambda i: (i, 0)),
        out_shape=jax.ShapeDtypeStruct((NP, D), jnp.float32),
    )


@jax.jit
def kernel(x, edge_index, W1, b1, W2, b2):
    N, D = x.shape
    E = edge_index.shape[1]
    rows_pt = ((N + NS - 1) // NS + K - 1) // K * K
    NP = rows_pt * NS
    n_chunks = (E + NW * K - 1) // (NW * K)
    E_pad = NW * K * n_chunks

    src = edge_index[0].astype(jnp.int32)
    dst = edge_index[1].astype(jnp.int32)
    pad = E_pad - E
    if pad:
        src = jnp.concatenate([src, jnp.zeros((pad,), jnp.int32)])
        dst = jnp.concatenate([dst, jnp.full((pad,), N, jnp.int32)])
    packed = jnp.bitwise_or(jnp.left_shift(dst, 16), src)

    xp = jnp.zeros((NP, D), jnp.float32).at[:N].set(x)

    agg_deg = _make_agg(NP, D, n_chunks, True)
    agg_only = _make_agg(NP, D, n_chunks, False)
    proj1 = _make_proj(NP, W1.shape[1], 1024)
    proj2 = _make_proj(NP, W2.shape[1], 1024)

    agg1, deg_flat = agg_deg(xp, packed)
    deg = deg_flat.reshape(NW, NP)
    h1 = proj1(agg1, deg, W1, b1.reshape(1, -1))
    (agg2,) = agg_only(h1, packed)
    h2 = proj2(agg2, deg, W2, b2.reshape(1, -1))
    return h2[:N]

# --- scband reference (transcript-rebuilt; emitter-appended) ---
"""Pipeline reference for scband-gnn-gae-2345052143892 (READ-ONLY COPY).

The authoritative reference and input builder live on the scoring server;
editing this copy changes nothing except your own understanding.
"""

import jax, jax.numpy as jnp
import numpy as np

N = 10000
E = 320000
D_IN = 128
D_HID = 128
D_OUT = 128


def setup_inputs(seed: int = 0) -> dict:
    key = jax.random.key(seed)
    k1, k2, k3, k4 = jax.random.split(key, 4)
    x = jax.random.normal(k1, (N, D_IN), dtype=jnp.float32)
    edge_index = jax.random.randint(k2, (2, E), 0, N, dtype=jnp.int64)
    W1 = jax.random.normal(k3, (D_IN, D_HID), dtype=jnp.float32) * (1.0 / np.sqrt(D_IN))
    b1 = jnp.zeros((D_HID,), dtype=jnp.float32)
    W2 = jax.random.normal(k4, (D_HID, D_OUT), dtype=jnp.float32) * (1.0 / np.sqrt(D_HID))
    b2 = jnp.zeros((D_OUT,), dtype=jnp.float32)
    return {"x": x, "edge_index": edge_index, "W1": W1, "b1": b1, "W2": W2, "b2": b2}


def _graph_conv_mean(feat, src, dst, W, b):
    # mean aggregation over incoming edges, then linear projection
    msgs = feat[src]                                   # gather: [E, d]
    agg = jax.ops.segment_sum(msgs, dst, num_segments=N)
    deg = jax.ops.segment_sum(jnp.ones((src.shape[0],), dtype=feat.dtype), dst, num_segments=N)
    h = agg / jnp.clip(deg, 1.0, None)[:, None]
    return h @ W + b


def reference(x, edge_index, W1, b1, W2, b2):
    src = edge_index[0]
    dst = edge_index[1]
    h = _graph_conv_mean(x, src, dst, W1, b1)
    h = jax.nn.relu(h)
    h = _graph_conv_mean(h, src, dst, W2, b2)
    h = jax.nn.relu(h)
    return h

if __name__ == "__main__":
    import jax
    _d = setup_inputs()
    print(jax.jit(kernel)(*tuple(_d.values())))

</pallas_src>

<mosaic_0001>
#map = affine_map<(d0, d1) -> (0, 0)>
#map1 = affine_map<(d0, d1) -> (0)>
#map2 = affine_map<(d0, d1) -> (0, 0, 0)>
module attributes {stable_mosaic.version = 14 : i64} {
  func.func @body(%arg0: i32, %arg1: i32, %arg2: memref<10240x128xf32, #tpu.memory_space<hbm>>, %arg3: memref<323584xi32, #tpu.memory_space<hbm>>, %arg4: memref<2x10240x128xf32, #tpu.memory_space<hbm>>, %arg5: memref<327680xf32, #tpu.memory_space<hbm>>, %arg6: memref<128x128xf32, #tpu.memory_space<vmem>>, %arg7: memref<2048xi32, #tpu.memory_space<vmem>>, %arg8: memref<128xi32, #tpu.memory_space<vmem>>, %arg9: memref<128xi32, #tpu.memory_space<vmem>>, %arg10: memref<10240x128xf32, #tpu.memory_space<vmem_shared>>, %arg11: memref<10240xf32, #tpu.memory_space<vmem>>) attributes {dimension_semantics = [#tpu.dimension_semantics<core_parallel>, #tpu.dimension_semantics<subcore_parallel>], iteration_bounds = array<i64: 2, 16>, scalar_prefetch = 0 : i64, scratch_operands = 6 : i64, tpu.core_type = #tpu.core_type<sc_vector_subcore>, window_params = [{transform_indices = #map}, {transform_indices = #map1}, {transform_indices = #map2}, {transform_indices = #map1}]} {
    %mul3A = arith.constant 16 : i32
    %mul3A_0 = arith.muli %arg0, %mul3A : i32
    %add3A = arith.addi %mul3A_0, %arg1 : i32
    %mul3A_1 = arith.constant 640 : i32
    %mul3A_2 = arith.muli %arg1, %mul3A_1 : i32
    %mul3A_3 = arith.constant 10112 : i32
    %mul3A_4 = arith.muli %add3A, %mul3A_3 : i32
    %broadcast_in_dim3A = arith.constant 1.000000e+00 : f32
    %broadcast_in_dim3A_5 = vector.broadcast %broadcast_in_dim3A : f32 to vector<16xf32>
    %scan3A = arith.constant 0 : i32
    %scan3A_6 = arith.constant 128 : i32
    %scan3A_7 = arith.addi %scan3A, %scan3A_6 : i32
    %scan3A_8 = arith.constant 1 : i32
    scf.for %scan3A_28 = %scan3A to %scan3A_7 step %scan3A_8  : i32 {
      %mul3A_29 = arith.constant 1 : i32
      %mul3A_30 = arith.muli %scan3A_28, %mul3A_29 : i32
      %add3A_31 = arith.constant 0 : i32
      %add3A_32 = arith.addi %add3A_31, %mul3A_30 : i32
      %scan3A_33 = arith.constant 0 : i32
      %scan3A_34 = arith.constant 8 : i32
      %scan3A_35 = arith.addi %scan3A_33, %scan3A_34 : i32
      %scan3A_36 = arith.constant 1 : i32
      scf.for %scan3A_38 = %scan3A_33 to %scan3A_35 step %scan3A_36  : i32 {
        %mul3A_39 = arith.constant 16 : i32
        %mul3A_40 = arith.muli %scan3A_38, %mul3A_39 : i32
        %add3A_41 = arith.constant 0 : i32
        %add3A_42 = arith.addi %add3A_41, %mul3A_40 : i32
        %broadcast_in_dim3A_43 = arith.constant 0.000000e+00 : f32
        %broadcast_in_dim3A_44 = vector.broadcast %broadcast_in_dim3A_43 : f32 to vector<16xf32>
        %swap3A = arith.index_cast %add3A_32 : i32 to index
        %swap3A_45 = arith.index_cast %add3A_42 : i32 to index
        %swap3A_46 = tpu.vector_load %arg6[%swap3A, %swap3A_45] {strides = array<i32>} : memref<128x128xf32, #tpu.memory_space<vmem>>, vector<16xf32>,
        tpu.vector_store %arg6[%swap3A, %swap3A_45], %broadcast_in_dim3A_44 {strides = array<i32>} : memref<128x128xf32, #tpu.memory_space<vmem>>, vector<16xf32>,
      }
      %scan3A_37 = arith.constant 8 : i32
    }
    %scan3A_9 = arith.constant 128 : i32
    %scan3A_10 = arith.constant 0 : i32
    %scan3A_11 = arith.constant 5 : i32
    %scan3A_12 = arith.addi %scan3A_10, %scan3A_11 : i32
    %scan3A_13 = arith.constant 1 : i32
    scf.for %scan3A_28 = %scan3A_10 to %scan3A_12 step %scan3A_13  : i32 {
      %mul3A_29 = arith.constant 128 : i32
      %mul3A_30 = arith.muli %scan3A_28, %mul3A_29 : i32
      %add3A_31 = arith.constant 0 : i32
      %add3A_32 = arith.addi %add3A_31, %mul3A_30 : i32
      %add3A_33 = arith.addi %mul3A_2, %add3A_32 : i32
      "tpu.region"() ({
        %run_scoped3A = tpu.sem_alloc : memref<!tpu.dma_semaphore, #tpu.memory_space<semaphore_mem>>
        %dma_start3A = arith.constant 0 : i32
        %dma_start3A_34 = tpu.memref_slice %arg10[%add3A_33, %dma_start3A] : memref<10240x128xf32, #tpu.memory_space<vmem_shared>> -> memref<128x128xf32, #tpu.memory_space<vmem_shared>>
        %dma_start3A_35 = arith.constant 0 : i32
        %dma_start3A_36 = tpu.memref_slice %arg10[%add3A_33, %dma_start3A_35] : memref<10240x128xf32, #tpu.memory_space<vmem_shared>> -> memref<128x128xf32, #tpu.memory_space<vmem_shared>>
        tpu.enqueue_dma source(%arg6 : memref<128x128xf32, #tpu.memory_space<vmem>>) target(%dma_start3A_36 : memref<128x128xf32, #tpu.memory_space<vmem_shared>>) target_semaphore(%run_scoped3A : memref<!tpu.dma_semaphore, #tpu.memory_space<semaphore_mem>>)
        %dma_wait3A = arith.constant 0 : i32
        %dma_wait3A_37 = tpu.memref_slice %arg10[%add3A_33, %dma_wait3A] : memref<10240x128xf32, #tpu.memory_space<vmem_shared>> -> memref<128x128xf32, #tpu.memory_space<vmem_shared>>
        %dma_wait3A_38 = arith.constant 0 : i32
        %dma_wait3A_39 = tpu.memref_slice %arg10[%add3A_33, %dma_wait3A_38] : memref<10240x128xf32, #tpu.memory_space<vmem_shared>> -> memref<128x128xf32, #tpu.memory_space<vmem_shared>>
        tpu.wait_dma2 semaphore(%run_scoped3A : memref<!tpu.dma_semaphore, #tpu.memory_space<semaphore_mem>>) src(%arg6 : memref<128x128xf32, #tpu.memory_space<vmem>>) dst(%dma_wait3A_39 : memref<128x128xf32, #tpu.memory_space<vmem_shared>>)
        tpu.yield
      }) : () -> ()
    }
    %scan3A_14 = arith.constant 5 : i32
    %scan3A_15 = arith.constant 0 : i32
    %scan3A_16 = arith.constant 640 : i32
    %scan3A_17 = arith.addi %scan3A_15, %scan3A_16 : i32
    %scan3A_18 = arith.constant 1 : i32
    scf.for %scan3A_28 = %scan3A_15 to %scan3A_17 step %scan3A_18  : i32 {
      %mul3A_29 = arith.constant 16 : i32
      %mul3A_30 = arith.muli %scan3A_28, %mul3A_29 : i32
      %add3A_31 = arith.constant 0 : i32
      %add3A_32 = arith.addi %add3A_31, %mul3A_30 : i32
      %broadcast_in_dim3A_33 = arith.constant 0.000000e+00 : f32
      %broadcast_in_dim3A_34 = vector.broadcast %broadcast_in_dim3A_33 : f32 to vector<16xf32>
      %swap3A = arith.index_cast %add3A_32 : i32 to index
      %swap3A_35 = tpu.vector_load %arg11[%swap3A] {strides = array<i32>} : memref<10240xf32, #tpu.memory_space<vmem>>, vector<16xf32>,
      tpu.vector_store %arg11[%swap3A], %broadcast_in_dim3A_34 {strides = array<i32>} : memref<10240xf32, #tpu.memory_space<vmem>>, vector<16xf32>,
    }
    %scan3A_19 = arith.constant 640 : i32
    %barrier3A = arith.constant 0 : index
    tpu.barrier barrier_id(%barrier3A)
    %scan3A_20 = arith.constant 0 : i32
    %scan3A_21 = arith.constant 79 : i32
    %scan3A_22 = arith.addi %scan3A_20, %scan3A_21 : i32
    %scan3A_23 = arith.constant 1 : i32
    scf.for %scan3A_28 = %scan3A_20 to %scan3A_22 step %scan3A_23  : i32 {
      %mul3A_29 = arith.constant 1 : i32
      %mul3A_30 = arith.muli %scan3A_28, %mul3A_29 : i32
      %add3A_31 = arith.constant 0 : i32
      %add3A_32 = arith.addi %add3A_31, %mul3A_30 : i32
      %and3A = arith.constant 15 : i32
      %and3A_33 = arith.andi %add3A_32, %and3A : i32
      %mul3A_34 = arith.constant 128 : i32
      %mul3A_35 = arith.muli %and3A_33, %mul3A_34 : i32
      %eq3A = arith.constant 0 : i32
      %eq3A_36 = arith.cmpi eq, %mul3A_35, %eq3A : i32
      %convert_element_type3A = arith.extui %eq3A_36 : i1 to i32
      %cond3A = arith.constant 0 : i32
      %cond3A_37 = arith.cmpi ne, %convert_element_type3A, %cond3A : i32
      scf.if %cond3A_37 {
        %mul3A_43 = arith.constant 128 : i32
        %mul3A_44 = arith.muli %add3A_32, %mul3A_43 : i32
        %add3A_45 = arith.addi %mul3A_4, %mul3A_44 : i32
        "tpu.region"() ({
          %run_scoped3A = tpu.sem_alloc : memref<!tpu.dma_semaphore, #tpu.memory_space<semaphore_mem>>
          %dma_start3A = tpu.memref_slice %arg3[%add3A_45] : memref<323584xi32, #tpu.memory_space<hbm>> -> memref<2048xi32, #tpu.memory_space<hbm>>
          %dma_start3A_46 = tpu.memref_slice %arg3[%add3A_45] : memref<323584xi32, #tpu.memory_space<hbm>> -> memref<2048xi32, #tpu.memory_space<hbm>>
          tpu.enqueue_dma source(%dma_start3A_46 : memref<2048xi32, #tpu.memory_space<hbm>>) target(%arg7 : memref<2048xi32, #tpu.memory_space<vmem>>) target_semaphore(%run_scoped3A : memref<!tpu.dma_semaphore, #tpu.memory_space<semaphore_mem>>)
          %dma_wait3A = tpu.memref_slice %arg3[%add3A_45] : memref<323584xi32, #tpu.memory_space<hbm>> -> memref<2048xi32, #tpu.memory_space<hbm>>
          %dma_wait3A_47 = tpu.memref_slice %arg3[%add3A_45] : memref<323584xi32, #tpu.memory_space<hbm>> -> memref<2048xi32, #tpu.memory_space<hbm>>
          tpu.wait_dma2 semaphore(%run_scoped3A : memref<!tpu.dma_semaphore, #tpu.memory_space<semaphore_mem>>) src(%dma_wait3A_47 : memref<2048xi32, #tpu.memory_space<hbm>>) dst(%arg7 : memref<2048xi32, #tpu.memory_space<vmem>>)
          tpu.yield
        }) : () -> ()
      } else {
      }
      %scan3A_38 = arith.constant 0 : i32
      %scan3A_39 = arith.constant 8 : i32
      %scan3A_40 = arith.addi %scan3A_38, %scan3A_39 : i32
      %scan3A_41 = arith.constant 1 : i32
      scf.for %scan3A_43 = %scan3A_38 to %scan3A_40 step %scan3A_41  : i32 {
        %mul3A_44 = arith.constant 16 : i32
        %mul3A_45 = arith.muli %scan3A_43, %mul3A_44 : i32
        %add3A_46 = arith.constant 0 : i32
        %add3A_47 = arith.addi %add3A_46, %mul3A_45 : i32
        %add3A_48 = arith.addi %mul3A_35, %add3A_47 : i32
        %get3A = arith.index_cast %add3A_48 : i32 to index
        %get3A_49 = tpu.vector_load %arg7[%get3A] {strides = array<i32>} : memref<2048xi32, #tpu.memory_space<vmem>>, vector<16xi32>,
        %and3A_50 = arith.constant 65535 : i32
        %and3A_51 = vector.broadcast %and3A_50 : i32 to vector<16xi32>
        %and3A_52 = arith.andi %get3A_49, %and3A_51 : vector<16xi32>
        %shift_right_logical3A = arith.constant 16 : i32
        %shift_right_logical3A_53 = vector.broadcast %shift_right_logical3A : i32 to vector<16xi32>
        %shift_right_logical3A_54 = arith.shrui %get3A_49, %shift_right_logical3A_53 : vector<16xi32>
        %swap3A = arith.index_cast %add3A_47 : i32 to index
        %swap3A_55 = tpu.vector_load %arg8[%swap3A] {strides = array<i32>} : memref<128xi32, #tpu.memory_space<vmem>>, vector<16xi32>,
        tpu.vector_store %arg8[%swap3A], %and3A_52 {strides = array<i32>} : memref<128xi32, #tpu.memory_space<vmem>>, vector<16xi32>,
        %swap3A_56 = arith.index_cast %add3A_47 : i32 to index
        %swap3A_57 = tpu.vector_load %arg9[%swap3A_56] {strides = array<i32>} : memref<128xi32, #tpu.memory_space<vmem>>, vector<16xi32>,
        tpu.vector_store %arg9[%swap3A_56], %shift_right_logical3A_54 {strides = array<i32>} : memref<128xi32, #tpu.memory_space<vmem>>, vector<16xi32>,
        tpu.vector_store_idx %arg11[%shift_right_logical3A_54], %broadcast_in_dim3A_5 {add = true} : memref<10240xf32, #tpu.memory_space<vmem>>[vector<16xi32>], vector<16xf32>,
      }
      %scan3A_42 = arith.constant 8 : i32
      "tpu.region"() ({
        %run_scoped3A = tpu.sem_alloc : memref<!tpu.dma_semaphore, #tpu.memory_space<semaphore_mem>>
        %dma_start3A = arith.constant 0 : i32
        %dma_start3A_43 = arith.constant 0 : i32
        %dma_start3A_44 = tpu.memref_slice %arg2[%dma_start3A, %dma_start3A_43] : memref<10240x128xf32, #tpu.memory_space<hbm>> -> memref<10240x128xf32, #tpu.memory_space<hbm>>
        tpu.enqueue_indirect_dma source(%dma_start3A_44 : memref<10240x128xf32, #tpu.memory_space<hbm>>) target(%arg6 : memref<128x128xf32, #tpu.memory_space<vmem>>) offsets(%arg8 : memref<128xi32, #tpu.memory_space<vmem>>) semaphore(%run_scoped3A : memref<!tpu.dma_semaphore, #tpu.memory_space<semaphore_mem>>)
        %dma_wait3A = arith.constant 0 : i32
        %dma_wait3A_45 = arith.constant 0 : i32
        %dma_wait3A_46 = tpu.memref_slice %arg2[%dma_wait3A, %dma_wait3A_45] : memref<10240x128xf32, #tpu.memory_space<hbm>> -> memref<10240x128xf32, #tpu.memory_space<hbm>>
        tpu.wait_indirect_dma semaphore(%run_scoped3A : memref<!tpu.dma_semaphore, #tpu.memory_space<semaphore_mem>>) src(%dma_wait3A_46 : memref<10240x128xf32, #tpu.memory_space<hbm>>) dst(%arg6 : memref<128x128xf32, #tpu.memory_space<vmem>>)
        tpu.yield
      }) : () -> ()
      "tpu.region"() ({
        %run_scoped3A = tpu.sem_alloc : memref<!tpu.dma_semaphore, #tpu.memory_space<semaphore_mem>>
        %dma_start3A = arith.constant 0 : i32
        %dma_start3A_43 = arith.constant 0 : i32
        %dma_start3A_44 = tpu.memref_slice %arg10[%dma_start3A, %dma_start3A_43] : memref<10240x128xf32, #tpu.memory_space<vmem_shared>> -> memref<10240x128xf32, #tpu.memory_space<vmem_shared>>
        tpu.enqueue_indirect_dma source(%arg6 : memref<128x128xf32, #tpu.memory_space<vmem>>) target(%dma_start3A_44 : memref<10240x128xf32, #tpu.memory_space<vmem_shared>>) offsets(%arg9 : memref<128xi32, #tpu.memory_space<vmem>>) semaphore(%run_scoped3A : memref<!tpu.dma_semaphore, #tpu.memory_space<semaphore_mem>>) {add = true}
        %dma_wait3A = arith.constant 0 : i32
        %dma_wait3A_45 = arith.constant 0 : i32
        %dma_wait3A_46 = tpu.memref_slice %arg10[%dma_wait3A, %dma_wait3A_45] : memref<10240x128xf32, #tpu.memory_space<vmem_shared>> -> memref<10240x128xf32, #tpu.memory_space<vmem_shared>>
        tpu.wait_indirect_dma semaphore(%run_scoped3A : memref<!tpu.dma_semaphore, #tpu.memory_space<semaphore_mem>>) src(%arg6 : memref<128x128xf32, #tpu.memory_space<vmem>>) dst(%dma_wait3A_46 : memref<10240x128xf32, #tpu.memory_space<vmem_shared>>)
        tpu.yield
      }) : () -> ()
    }
    %scan3A_24 = arith.constant 79 : i32
    %barrier3A_25 = arith.constant 0 : index
    tpu.barrier barrier_id(%barrier3A_25)
    "tpu.region"() ({
      %run_scoped3A = tpu.sem_alloc : memref<!tpu.dma_semaphore, #tpu.memory_space<semaphore_mem>>
      %dma_start3A = arith.constant 0 : i32
      %dma_start3A_28 = tpu.memref_slice %arg4[%arg0, %mul3A_2, %dma_start3A] : memref<2x10240x128xf32, #tpu.memory_space<hbm>> -> memref<1x640x128xf32, #tpu.memory_space<hbm>>
      %dma_start3A_29 = tpu.memref_squeeze %dma_start3A_28 : memref<1x640x128xf32, #tpu.memory_space<hbm>> -> memref<640x128xf32, #tpu.memory_space<hbm>>
      %dma_start3A_30 = arith.constant 0 : i32
      %dma_start3A_31 = tpu.memref_slice %arg10[%mul3A_2, %dma_start3A_30] : memref<10240x128xf32, #tpu.memory_space<vmem_shared>> -> memref<640x128xf32, #tpu.memory_space<vmem_shared>>
      tpu.enqueue_dma source(%dma_start3A_31 : memref<640x128xf32, #tpu.memory_space<vmem_shared>>) target(%dma_start3A_29 : memref<640x128xf32, #tpu.memory_space<hbm>>) target_semaphore(%run_scoped3A : memref<!tpu.dma_semaphore, #tpu.memory_space<semaphore_mem>>)
      %dma_wait3A = arith.constant 0 : i32
      %dma_wait3A_32 = tpu.memref_slice %arg4[%arg0, %mul3A_2, %dma_wait3A] : memref<2x10240x128xf32, #tpu.memory_space<hbm>> -> memref<1x640x128xf32, #tpu.memory_space<hbm>>
      %dma_wait3A_33 = tpu.memref_squeeze %dma_wait3A_32 : memref<1x640x128xf32, #tpu.memory_space<hbm>> -> memref<640x128xf32, #tpu.memory_space<hbm>>
      %dma_wait3A_34 = arith.constant 0 : i32
      %dma_wait3A_35 = tpu.memref_slice %arg10[%mul3A_2, %dma_wait3A_34] : memref<10240x128xf32, #tpu.memory_space<vmem_shared>> -> memref<640x128xf32, #tpu.memory_space<vmem_shared>>
      tpu.wait_dma2 semaphore(%run_scoped3A : memref<!tpu.dma_semaphore, #tpu.memory_space<semaphore_mem>>) src(%dma_wait3A_35 : memref<640x128xf32, #tpu.memory_space<vmem_shared>>) dst(%dma_wait3A_33 : memref<640x128xf32, #tpu.memory_space<hbm>>)
      tpu.yield
    }) : () -> ()
    %mul3A_26 = arith.constant 10240 : i32
    %mul3A_27 = arith.muli %add3A, %mul3A_26 : i32
    "tpu.region"() ({
      %run_scoped3A = tpu.sem_alloc : memref<!tpu.dma_semaphore, #tpu.memory_space<semaphore_mem>>
      %dma_start3A = tpu.memref_slice %arg5[%mul3A_27] : memref<327680xf32, #tpu.memory_space<hbm>> -> memref<10240xf32, #tpu.memory_space<hbm>>
      %dma_start3A_28 = tpu.memref_slice %arg5[%mul3A_27] : memref<327680xf32, #tpu.memory_space<hbm>> -> memref<10240xf32, #tpu.memory_space<hbm>>
      tpu.enqueue_dma source(%arg11 : memref<10240xf32, #tpu.memory_space<vmem>>) target(%dma_start3A_28 : memref<10240xf32, #tpu.memory_space<hbm>>) target_semaphore(%run_scoped3A : memref<!tpu.dma_semaphore, #tpu.memory_space<semaphore_mem>>)
      %dma_wait3A = tpu.memref_slice %arg5[%mul3A_27] : memref<327680xf32, #tpu.memory_space<hbm>> -> memref<10240xf32, #tpu.memory_space<hbm>>
      %dma_wait3A_29 = tpu.memref_slice %arg5[%mul3A_27] : memref<327680xf32, #tpu.memory_space<hbm>> -> memref<10240xf32, #tpu.memory_space<hbm>>
      tpu.wait_dma2 semaphore(%run_scoped3A : memref<!tpu.dma_semaphore, #tpu.memory_space<semaphore_mem>>) src(%arg11 : memref<10240xf32, #tpu.memory_space<vmem>>) dst(%dma_wait3A_29 : memref<10240xf32, #tpu.memory_space<hbm>>)
      tpu.yield
    }) : () -> ()
    return
  }
}

#map = affine_map<(d0, d1) -> (0, 0)>
#map1 = affine_map<(d0, d1) -> (0)>
#map2 = affine_map<(d0, d1) -> (0, 0, 0)>
module attributes {stable_mosaic.version = 14 : i64} {
  func.func @body(%arg0: i32, %arg1: i32, %arg2: memref<10240x128xf32, #tpu.memory_space<hbm>>, %arg3: memref<323584xi32, #tpu.memory_space<hbm>>, %arg4: memref<2x10240x128xf32, #tpu.memory_space<hbm>>, %arg5: memref<128x128xf32, #tpu.memory_space<vmem>>, %arg6: memref<2048xi32, #tpu.memory_space<vmem>>, %arg7: memref<128xi32, #tpu.memory_space<vmem>>, %arg8: memref<128xi32, #tpu.memory_space<vmem>>, %arg9: memref<10240x128xf32, #tpu.memory_space<vmem_shared>>) attributes {dimension_semantics = [#tpu.dimension_semantics<core_parallel>, #tpu.dimension_semantics<subcore_parallel>], iteration_bounds = array<i64: 2, 16>, scalar_prefetch = 0 : i64, scratch_operands = 5 : i64, tpu.core_type = #tpu.core_type<sc_vector_subcore>, window_params = [{transform_indices = #map}, {transform_indices = #map1}, {transform_indices = #map2}]} {
    %mul3A = arith.constant 16 : i32
    %mul3A_0 = arith.muli %arg0, %mul3A : i32
    %add3A = arith.addi %mul3A_0, %arg1 : i32
    %mul3A_1 = arith.constant 640 : i32
    %mul3A_2 = arith.muli %arg1, %mul3A_1 : i32
    %mul3A_3 = arith.constant 10112 : i32
    %mul3A_4 = arith.muli %add3A, %mul3A_3 : i32
    %broadcast_in_dim3A = arith.constant 1.000000e+00 : f32
    %broadcast_in_dim3A_5 = vector.broadcast %broadcast_in_dim3A : f32 to vector<16xf32>
    %scan3A = arith.constant 0 : i32
    %scan3A_6 = arith.constant 128 : i32
    %scan3A_7 = arith.addi %scan3A, %scan3A_6 : i32
    %scan3A_8 = arith.constant 1 : i32
    scf.for %scan3A_21 = %scan3A to %scan3A_7 step %scan3A_8  : i32 {
      %mul3A_22 = arith.constant 1 : i32
      %mul3A_23 = arith.muli %scan3A_21, %mul3A_22 : i32
      %add3A_24 = arith.constant 0 : i32
      %add3A_25 = arith.addi %add3A_24, %mul3A_23 : i32
      %scan3A_26 = arith.constant 0 : i32
      %scan3A_27 = arith.constant 8 : i32
      %scan3A_28 = arith.addi %scan3A_26, %scan3A_27 : i32
      %scan3A_29 = arith.constant 1 : i32
      scf.for %scan3A_31 = %scan3A_26 to %scan3A_28 step %scan3A_29  : i32 {
        %mul3A_32 = arith.constant 16 : i32
        %mul3A_33 = arith.muli %scan3A_31, %mul3A_32 : i32
        %add3A_34 = arith.constant 0 : i32
        %add3A_35 = arith.addi %add3A_34, %mul3A_33 : i32
        %broadcast_in_dim3A_36 = arith.constant 0.000000e+00 : f32
        %broadcast_in_dim3A_37 = vector.broadcast %broadcast_in_dim3A_36 : f32 to vector<16xf32>
        %swap3A = arith.index_cast %add3A_25 : i32 to index
        %swap3A_38 = arith.index_cast %add3A_35 : i32 to index
        %swap3A_39 = tpu.vector_load %arg5[%swap3A, %swap3A_38] {strides = array<i32>} : memref<128x128xf32, #tpu.memory_space<vmem>>, vector<16xf32>,
        tpu.vector_store %arg5[%swap3A, %swap3A_38], %broadcast_in_dim3A_37 {strides = array<i32>} : memref<128x128xf32, #tpu.memory_space<vmem>>, vector<16xf32>,
      }
      %scan3A_30 = arith.constant 8 : i32
    }
    %scan3A_9 = arith.constant 128 : i32
    %scan3A_10 = arith.constant 0 : i32
    %scan3A_11 = arith.constant 5 : i32
    %scan3A_12 = arith.addi %scan3A_10, %scan3A_11 : i32
    %scan3A_13 = arith.constant 1 : i32
    scf.for %scan3A_21 = %scan3A_10 to %scan3A_12 step %scan3A_13  : i32 {
      %mul3A_22 = arith.constant 128 : i32
      %mul3A_23 = arith.muli %scan3A_21, %mul3A_22 : i32
      %add3A_24 = arith.constant 0 : i32
      %add3A_25 = arith.addi %add3A_24, %mul3A_23 : i32
      %add3A_26 = arith.addi %mul3A_2, %add3A_25 : i32
      "tpu.region"() ({
        %run_scoped3A = tpu.sem_alloc : memref<!tpu.dma_semaphore, #tpu.memory_space<semaphore_mem>>
        %dma_start3A = arith.constant 0 : i32
        %dma_start3A_27 = tpu.memref_slice %arg9[%add3A_26, %dma_start3A] : memref<10240x128xf32, #tpu.memory_space<vmem_shared>> -> memref<128x128xf32, #tpu.memory_space<vmem_shared>>
        %dma_start3A_28 = arith.constant 0 : i32
        %dma_start3A_29 = tpu.memref_slice %arg9[%add3A_26, %dma_start3A_28] : memref<10240x128xf32, #tpu.memory_space<vmem_shared>> -> memref<128x128xf32, #tpu.memory_space<vmem_shared>>
        tpu.enqueue_dma source(%arg5 : memref<128x128xf32, #tpu.memory_space<vmem>>) target(%dma_start3A_29 : memref<128x128xf32, #tpu.memory_space<vmem_shared>>) target_semaphore(%run_scoped3A : memref<!tpu.dma_semaphore, #tpu.memory_space<semaphore_mem>>)
        %dma_wait3A = arith.constant 0 : i32
        %dma_wait3A_30 = tpu.memref_slice %arg9[%add3A_26, %dma_wait3A] : memref<10240x128xf32, #tpu.memory_space<vmem_shared>> -> memref<128x128xf32, #tpu.memory_space<vmem_shared>>
        %dma_wait3A_31 = arith.constant 0 : i32
        %dma_wait3A_32 = tpu.memref_slice %arg9[%add3A_26, %dma_wait3A_31] : memref<10240x128xf32, #tpu.memory_space<vmem_shared>> -> memref<128x128xf32, #tpu.memory_space<vmem_shared>>
        tpu.wait_dma2 semaphore(%run_scoped3A : memref<!tpu.dma_semaphore, #tpu.memory_space<semaphore_mem>>) src(%arg5 : memref<128x128xf32, #tpu.memory_space<vmem>>) dst(%dma_wait3A_32 : memref<128x128xf32, #tpu.memory_space<vmem_shared>>)
        tpu.yield
      }) : () -> ()
    }
    %scan3A_14 = arith.constant 5 : i32
    %barrier3A = arith.constant 0 : index
    tpu.barrier barrier_id(%barrier3A)
    %scan3A_15 = arith.constant 0 : i32
    %scan3A_16 = arith.constant 79 : i32
    %scan3A_17 = arith.addi %scan3A_15, %scan3A_16 : i32
    %scan3A_18 = arith.constant 1 : i32
    scf.for %scan3A_21 = %scan3A_15 to %scan3A_17 step %scan3A_18  : i32 {
      %mul3A_22 = arith.constant 1 : i32
      %mul3A_23 = arith.muli %scan3A_21, %mul3A_22 : i32
      %add3A_24 = arith.constant 0 : i32
      %add3A_25 = arith.addi %add3A_24, %mul3A_23 : i32
      %and3A = arith.constant 15 : i32
      %and3A_26 = arith.andi %add3A_25, %and3A : i32
      %mul3A_27 = arith.constant 128 : i32
      %mul3A_28 = arith.muli %and3A_26, %mul3A_27 : i32
      %eq3A = arith.constant 0 : i32
      %eq3A_29 = arith.cmpi eq, %mul3A_28, %eq3A : i32
      %convert_element_type3A = arith.extui %eq3A_29 : i1 to i32
      %cond3A = arith.constant 0 : i32
      %cond3A_30 = arith.cmpi ne, %convert_element_type3A, %cond3A : i32
      scf.if %cond3A_30 {
        %mul3A_36 = arith.constant 128 : i32
        %mul3A_37 = arith.muli %add3A_25, %mul3A_36 : i32
        %add3A_38 = arith.addi %mul3A_4, %mul3A_37 : i32
        "tpu.region"() ({
          %run_scoped3A = tpu.sem_alloc : memref<!tpu.dma_semaphore, #tpu.memory_space<semaphore_mem>>
          %dma_start3A = tpu.memref_slice %arg3[%add3A_38] : memref<323584xi32, #tpu.memory_space<hbm>> -> memref<2048xi32, #tpu.memory_space<hbm>>
          %dma_start3A_39 = tpu.memref_slice %arg3[%add3A_38] : memref<323584xi32, #tpu.memory_space<hbm>> -> memref<2048xi32, #tpu.memory_space<hbm>>
          tpu.enqueue_dma source(%dma_start3A_39 : memref<2048xi32, #tpu.memory_space<hbm>>) target(%arg6 : memref<2048xi32, #tpu.memory_space<vmem>>) target_semaphore(%run_scoped3A : memref<!tpu.dma_semaphore, #tpu.memory_space<semaphore_mem>>)
          %dma_wait3A = tpu.memref_slice %arg3[%add3A_38] : memref<323584xi32, #tpu.memory_space<hbm>> -> memref<2048xi32, #tpu.memory_space<hbm>>
          %dma_wait3A_40 = tpu.memref_slice %arg3[%add3A_38] : memref<323584xi32, #tpu.memory_space<hbm>> -> memref<2048xi32, #tpu.memory_space<hbm>>
          tpu.wait_dma2 semaphore(%run_scoped3A : memref<!tpu.dma_semaphore, #tpu.memory_space<semaphore_mem>>) src(%dma_wait3A_40 : memref<2048xi32, #tpu.memory_space<hbm>>) dst(%arg6 : memref<2048xi32, #tpu.memory_space<vmem>>)
          tpu.yield
        }) : () -> ()
      } else {
      }
      %scan3A_31 = arith.constant 0 : i32
      %scan3A_32 = arith.constant 8 : i32
      %scan3A_33 = arith.addi %scan3A_31, %scan3A_32 : i32
      %scan3A_34 = arith.constant 1 : i32
      scf.for %scan3A_36 = %scan3A_31 to %scan3A_33 step %scan3A_34  : i32 {
        %mul3A_37 = arith.constant 16 : i32
        %mul3A_38 = arith.muli %scan3A_36, %mul3A_37 : i32
        %add3A_39 = arith.constant 0 : i32
        %add3A_40 = arith.addi %add3A_39, %mul3A_38 : i32
        %add3A_41 = arith.addi %mul3A_28, %add3A_40 : i32
        %get3A = arith.index_cast %add3A_41 : i32 to index
        %get3A_42 = tpu.vector_load %arg6[%get3A] {strides = array<i32>} : memref<2048xi32, #tpu.memory_space<vmem>>, vector<16xi32>,
        %and3A_43 = arith.constant 65535 : i32
        %and3A_44 = vector.broadcast %and3A_43 : i32 to vector<16xi32>
        %and3A_45 = arith.andi %get3A_42, %and3A_44 : vector<16xi32>
        %shift_right_logical3A = arith.constant 16 : i32
        %shift_right_logical3A_46 = vector.broadcast %shift_right_logical3A : i32 to vector<16xi32>
        %shift_right_logical3A_47 = arith.shrui %get3A_42, %shift_right_logical3A_46 : vector<16xi32>
        %swap3A = arith.index_cast %add3A_40 : i32 to index
        %swap3A_48 = tpu.vector_load %arg7[%swap3A] {strides = array<i32>} : memref<128xi32, #tpu.memory_space<vmem>>, vector<16xi32>,
        tpu.vector_store %arg7[%swap3A], %and3A_45 {strides = array<i32>} : memref<128xi32, #tpu.memory_space<vmem>>, vector<16xi32>,
        %swap3A_49 = arith.index_cast %add3A_40 : i32 to index
        %swap3A_50 = tpu.vector_load %arg8[%swap3A_49] {strides = array<i32>} : memref<128xi32, #tpu.memory_space<vmem>>, vector<16xi32>,
        tpu.vector_store %arg8[%swap3A_49], %shift_right_logical3A_47 {strides = array<i32>} : memref<128xi32, #tpu.memory_space<vmem>>, vector<16xi32>,
      }
      %scan3A_35 = arith.constant 8 : i32
      "tpu.region"() ({
        %run_scoped3A = tpu.sem_alloc : memref<!tpu.dma_semaphore, #tpu.memory_space<semaphore_mem>>
        %dma_start3A = arith.constant 0 : i32
        %dma_start3A_36 = arith.constant 0 : i32
        %dma_start3A_37 = tpu.memref_slice %arg2[%dma_start3A, %dma_start3A_36] : memref<10240x128xf32, #tpu.memory_space<hbm>> -> memref<10240x128xf32, #tpu.memory_space<hbm>>
        tpu.enqueue_indirect_dma source(%dma_start3A_37 : memref<10240x128xf32, #tpu.memory_space<hbm>>) target(%arg5 : memref<128x128xf32, #tpu.memory_space<vmem>>) offsets(%arg7 : memref<128xi32, #tpu.memory_space<vmem>>) semaphore(%run_scoped3A : memref<!tpu.dma_semaphore, #tpu.memory_space<semaphore_mem>>)
        %dma_wait3A = arith.constant 0 : i32
        %dma_wait3A_38 = arith.constant 0 : i32
        %dma_wait3A_39 = tpu.memref_slice %arg2[%dma_wait3A, %dma_wait3A_38] : memref<10240x128xf32, #tpu.memory_space<hbm>> -> memref<10240x128xf32, #tpu.memory_space<hbm>>
        tpu.wait_indirect_dma semaphore(%run_scoped3A : memref<!tpu.dma_semaphore, #tpu.memory_space<semaphore_mem>>) src(%dma_wait3A_39 : memref<10240x128xf32, #tpu.memory_space<hbm>>) dst(%arg5 : memref<128x128xf32, #tpu.memory_space<vmem>>)
        tpu.yield
      }) : () -> ()
      "tpu.region"() ({
        %run_scoped3A = tpu.sem_alloc : memref<!tpu.dma_semaphore, #tpu.memory_space<semaphore_mem>>
        %dma_start3A = arith.constant 0 : i32
        %dma_start3A_36 = arith.constant 0 : i32
        %dma_start3A_37 = tpu.memref_slice %arg9[%dma_start3A, %dma_start3A_36] : memref<10240x128xf32, #tpu.memory_space<vmem_shared>> -> memref<10240x128xf32, #tpu.memory_space<vmem_shared>>
        tpu.enqueue_indirect_dma source(%arg5 : memref<128x128xf32, #tpu.memory_space<vmem>>) target(%dma_start3A_37 : memref<10240x128xf32, #tpu.memory_space<vmem_shared>>) offsets(%arg8 : memref<128xi32, #tpu.memory_space<vmem>>) semaphore(%run_scoped3A : memref<!tpu.dma_semaphore, #tpu.memory_space<semaphore_mem>>) {add = true}
        %dma_wait3A = arith.constant 0 : i32
        %dma_wait3A_38 = arith.constant 0 : i32
        %dma_wait3A_39 = tpu.memref_slice %arg9[%dma_wait3A, %dma_wait3A_38] : memref<10240x128xf32, #tpu.memory_space<vmem_shared>> -> memref<10240x128xf32, #tpu.memory_space<vmem_shared>>
        tpu.wait_indirect_dma semaphore(%run_scoped3A : memref<!tpu.dma_semaphore, #tpu.memory_space<semaphore_mem>>) src(%arg5 : memref<128x128xf32, #tpu.memory_space<vmem>>) dst(%dma_wait3A_39 : memref<10240x128xf32, #tpu.memory_space<vmem_shared>>)
        tpu.yield
      }) : () -> ()
    }
    %scan3A_19 = arith.constant 79 : i32
    %barrier3A_20 = arith.constant 0 : index
    tpu.barrier barrier_id(%barrier3A_20)
    "tpu.region"() ({
      %run_scoped3A = tpu.sem_alloc : memref<!tpu.dma_semaphore, #tpu.memory_space<semaphore_mem>>
      %dma_start3A = arith.constant 0 : i32
      %dma_start3A_21 = tpu.memref_slice %arg4[%arg0, %mul3A_2, %dma_start3A] : memref<2x10240x128xf32, #tpu.memory_space<hbm>> -> memref<1x640x128xf32, #tpu.memory_space<hbm>>
      %dma_start3A_22 = tpu.memref_squeeze %dma_start3A_21 : memref<1x640x128xf32, #tpu.memory_space<hbm>> -> memref<640x128xf32, #tpu.memory_space<hbm>>
      %dma_start3A_23 = arith.constant 0 : i32
      %dma_start3A_24 = tpu.memref_slice %arg9[%mul3A_2, %dma_start3A_23] : memref<10240x128xf32, #tpu.memory_space<vmem_shared>> -> memref<640x128xf32, #tpu.memory_space<vmem_shared>>
      tpu.enqueue_dma source(%dma_start3A_24 : memref<640x128xf32, #tpu.memory_space<vmem_shared>>) target(%dma_start3A_22 : memref<640x128xf32, #tpu.memory_space<hbm>>) target_semaphore(%run_scoped3A : memref<!tpu.dma_semaphore, #tpu.memory_space<semaphore_mem>>)
      %dma_wait3A = arith.constant 0 : i32
      %dma_wait3A_25 = tpu.memref_slice %arg4[%arg0, %mul3A_2, %dma_wait3A] : memref<2x10240x128xf32, #tpu.memory_space<hbm>> -> memref<1x640x128xf32, #tpu.memory_space<hbm>>
      %dma_wait3A_26 = tpu.memref_squeeze %dma_wait3A_25 : memref<1x640x128xf32, #tpu.memory_space<hbm>> -> memref<640x128xf32, #tpu.memory_space<hbm>>
      %dma_wait3A_27 = arith.constant 0 : i32
      %dma_wait3A_28 = tpu.memref_slice %arg9[%mul3A_2, %dma_wait3A_27] : memref<10240x128xf32, #tpu.memory_space<vmem_shared>> -> memref<640x128xf32, #tpu.memory_space<vmem_shared>>
      tpu.wait_dma2 semaphore(%run_scoped3A : memref<!tpu.dma_semaphore, #tpu.memory_space<semaphore_mem>>) src(%dma_wait3A_28 : memref<640x128xf32, #tpu.memory_space<vmem_shared>>) dst(%dma_wait3A_26 : memref<640x128xf32, #tpu.memory_space<hbm>>)
      tpu.yield
    }) : () -> ()
    return
  }
}

module attributes {stable_mosaic.version = 14 : i64} {
  func.func @body(%arg0: i32, %arg1: memref<2x1024x128xf32, #tpu.memory_space<vmem>>, %arg2: memref<32x1024xf32, #tpu.memory_space<vmem>>, %arg3: memref<128x128xf32, #tpu.memory_space<vmem>>, %arg4: memref<1x128xf32, #tpu.memory_space<vmem>>, %arg5: memref<1024x128xf32, #tpu.memory_space<vmem>>) attributes {dimension_semantics = [#tpu.dimension_semantics<arbitrary>], iteration_bounds = array<i64: 10>, scalar_prefetch = 0 : i64, scratch_operands = 0 : i64, tpu.core_type = #tpu.core_type<tc>, window_params = [{transform_indices = @transform_0, window_bounds = array<i64: 2, 1024, 128>}, {transform_indices = @transform_1, window_bounds = array<i64: 32, 1024>}, {pipeline_mode = #tpu.pipeline_mode<synchronous>, transform_indices = @transform_2, window_bounds = array<i64: 128, 128>}, {pipeline_mode = #tpu.pipeline_mode<synchronous>, transform_indices = @transform_3, window_bounds = array<i64: 1, 128>}, {transform_indices = @transform_4, window_bounds = array<i64: 1024, 128>}]} {
    %get3A = arith.constant 0 : index
    %get3A_0 = arith.constant 0 : index
    %get3A_1 = arith.constant 0 : index
    %get3A_2 = vector.load %arg1[%get3A, %get3A_0, %get3A_1] : memref<2x1024x128xf32, #tpu.memory_space<vmem>>, vector<1x1024x128xf32>
    %get3A_3 = vector.shape_cast %get3A_2 : vector<1x1024x128xf32> to vector<1024x128xf32>
    %get3A_4 = arith.constant 1 : index
    %get3A_5 = arith.constant 0 : index
    %get3A_6 = arith.constant 0 : index
    %get3A_7 = vector.load %arg1[%get3A_4, %get3A_5, %get3A_6] : memref<2x1024x128xf32, #tpu.memory_space<vmem>>, vector<1x1024x128xf32>
    %get3A_8 = vector.shape_cast %get3A_7 : vector<1x1024x128xf32> to vector<1024x128xf32>
    %add3A = arith.addf %get3A_3, %get3A_8 : vector<1024x128xf32>
    %get3A_9 = arith.constant 0 : index
    %get3A_10 = arith.constant 0 : index
    %get3A_11 = vector.load %arg2[%get3A_9, %get3A_10] : memref<32x1024xf32, #tpu.memory_space<vmem>>, vector<32x1024xf32>
    %reduce_sum3A = arith.constant dense<0.000000e+00> : vector<1024xf32>
    %reduce_sum3A_12 = vector.multi_reduction <add>, %get3A_11, %reduce_sum3A [0] : vector<32x1024xf32> to vector<1024xf32>
    %broadcast_in_dim3A = vector.shape_cast %reduce_sum3A_12 : vector<1024xf32> to vector<1024x1xf32>
    %max3A = arith.constant 1.000000e+00 : f32
    %max3A_13 = vector.broadcast %max3A : f32 to vector<1024x1xf32>
    %max3A_14 = arith.maximumf %broadcast_in_dim3A, %max3A_13 : vector<1024x1xf32>
    %div3A = arith.constant 1.000000e+00 : f32
    %div3A_15 = vector.broadcast %div3A : f32 to vector<1024x1xf32>
    %div3A_16 = arith.divf %div3A_15, %max3A_14 : vector<1024x1xf32>
    %mul3A = vector.broadcast %div3A_16 : vector<1024x1xf32> to vector<1024x128xf32>
    %mul3A_17 = arith.mulf %add3A, %mul3A : vector<1024x128xf32>
    %get3A_18 = arith.constant 0 : index
    %get3A_19 = arith.constant 0 : index
    %get3A_20 = vector.load %arg3[%get3A_18, %get3A_19] : memref<128x128xf32, #tpu.memory_space<vmem>>, vector<128x128xf32>
    %dot_general3A = arith.constant dense<0.000000e+00> : vector<1024x128xf32>
    %dot_general3A_21 = tpu.matmul %mul3A_17, %get3A_20, %dot_general3A {dimension_numbers = #tpu.dot_dimension_numbers<[1], [0], [0], [1], [0, 0, 1, 1], [], []>, transpose_lhs_hint = false} : vector<1024x128xf32>, vector<128x128xf32>, vector<1024x128xf32> -> vector<1024x128xf32>
    %get3A_22 = arith.constant 0 : index
    %get3A_23 = arith.constant 0 : index
    %get3A_24 = vector.load %arg4[%get3A_22, %get3A_23] : memref<1x128xf32, #tpu.memory_space<vmem>>, vector<1x128xf32>
    %add3A_25 = vector.broadcast %get3A_24 : vector<1x128xf32> to vector<1024x128xf32>
    %add3A_26 = arith.addf %dot_general3A_21, %add3A_25 : vector<1024x128xf32>
    %max3A_27 = arith.constant 0.000000e+00 : f32
    %max3A_28 = vector.broadcast %max3A_27 : f32 to vector<1024x128xf32>
    %max3A_29 = arith.maximumf %add3A_26, %max3A_28 : vector<1024x128xf32>
    %swap3A = arith.constant 0 : index
    %swap3A_30 = arith.constant 0 : index
    %swap3A_31 = vector.load %arg5[%swap3A, %swap3A_30] : memref<1024x128xf32, #tpu.memory_space<vmem>>, vector<1024x128xf32>
    tpu.vector_store %arg5[%swap3A, %swap3A_30], %max3A_29 {strides = array<i32>} : memref<1024x128xf32, #tpu.memory_space<vmem>>, vector<1024x128xf32>,
    return
  }
  func.func @transform_0(%arg0: i32) -> (i32, i32, i32) {
    %c0_i32 = arith.constant 0 : i32
    %c0_i32_0 = arith.constant 0 : i32
    %c0_i32_1 = arith.constant 0 : i32
    return %c0_i32, %arg0, %c0_i32_0 : i32, i32, i32
  }
  func.func @transform_1(%arg0: i32) -> (i32, i32) {
    %c0_i32 = arith.constant 0 : i32
    %c0_i32_0 = arith.constant 0 : i32
    return %c0_i32, %arg0 : i32, i32
  }
  func.func @transform_2(%arg0: i32) -> (i32, i32) {
    %c0_i32 = arith.constant 0 : i32
    %c0_i32_0 = arith.constant 0 : i32
    %c0_i32_1 = arith.constant 0 : i32
    return %c0_i32, %c0_i32_0 : i32, i32
  }
  func.func @transform_3(%arg0: i32) -> (i32, i32) {
    %c0_i32 = arith.constant 0 : i32
    %c0_i32_0 = arith.constant 0 : i32
    %c0_i32_1 = arith.constant 0 : i32
    return %c0_i32, %c0_i32_0 : i32, i32
  }
  func.func @transform_4(%arg0: i32) -> (i32, i32) {
    %c0_i32 = arith.constant 0 : i32
    %c0_i32_0 = arith.constant 0 : i32
    return %arg0, %c0_i32 : i32, i32
  }
}

</mosaic_0001>

<sc_bundles>
// kernel: kernel.6.cloned.1.call-start
scs
__scs_entry_jumppad:
0x0: {  	(pc) =	sbr.rel $0x88, $3  }
0x1: {  	(tag) =	ssettag $0x0;
	lr =	simm.s32 $0x1  }
0x2: {  	[smem:$0x3F9B] =	sst lr;
	_ =	strace $0xD0000000  }
0x3: {  	_ = 	snop  }
0x4: {  	_ = 	snop  }
0x5: {  	_ = 	snop  }
0x6: {  	_ = 	snop  }
0x7: {  	_ = 	snop  }
__scs_overlays_trampoline_lowered:
0x8: {  	[smem:$0x3FAA] =	sst s0  }
0x9: {  	[smem:$0x3FAB] =	sst s1  }
0xa: {  	[smem:$0x3FAC] =	sst s2  }
0xb: {  	[smem:$0x3FAD] =	sst s3  }
0xc: {  	[smem:$0x3FAE] =	sst s4  }
0xd: {  	[smem:$0x3FAF] =	sst s5  }
0xe: {  	[smem:$0x3FB0] =	sst s6  }
0xf: {  	[smem:$0x3FB1] =	sst s7  }
0x10: {  	[smem:$0x3FB2] =	sst s8  }
0x11: {  	[smem:$0x3FB3] =	sst s9;
	s0 =	simm.s32 @!p0 $0x0  }
0x12: {  	s1 =	sld [smem:$0x3F99];
	s0 =	simm.s32 @p0 $0x1  }
0x13: {  	[smem:$0x3FB4] =	sst s0;
	s0 =	simm.s32 @!p1 $0x0  }
0x14: {  	s2 =	sld [smem:$0x3F98];
	s0 =	simm.s32 @p1 $0x1  }
0x15: {  	[smem:$0x3FB5] =	sst s0;
	s0 =	simm.s32 @!p2 $0x0  }
0x16: {  	s3 =	sld [smem:$0x3FDB];
	s0 =	simm.s32 @p2 $0x1  }
0x17: {  	s4 =	simm.s32 $0x1BF5;
	[smem:$0x3FB7] =	sst s0  }
0x18: {  	s0 =	sld [smem:$0x3F9A];
	_ =	swait.ge [sflag:s4], $0x0  }
0x19: {  	s7 =	sld [smem:$0x3F9B]  }
0x1a: {  	s8 =	sadd.s32 $0xFFFFE003, lr  }
0x1b: {  	s9 =	sadd.s32 $0xFFFFFEF7, lr;
	s5 =	simm.s32 $0xFFFFFFFF;
	p2 =	slt.u32 s8, $0xFFFFF086  }
0x1c: {  	p1 =	slt.u32 s9, $0xF7A;
	s5 =	simm.s32 @!p2 $0x0  }
0x1d: {  	s5 =	simm.s32 @p1 $0x1;
	p0 =	seq.s32 s7, s2  }
0x1e: {  	s7 =	smul.u32 @!p0 $0xF7A, s2;
	p2 =	seq.s32 @!p0 s5, $0x0  }
0x1f: {  	s9 =	smul.u32 $0xF7A, s1;
	s8 =	simm.s32 @!p0 $0x1BF5;
	p2 =	por !p2, p0  }
0x20: {  	[sflag:s8] =	ssyncset.s32 @!p0 $0xFFFFF086;
	s6 =	sadd.s32 @!p0 s3, s7;
	s7 =	simm.s32 @!p0 $0x108  }
0x21: {  	s3 =	sadd.s32 s3, s9;
	s6 =	sadd.s32 @!p0 $0x88, s6;
	s7 =	simm.s32 @p2 $0x1082  }
0x22: {  	[simem:s7], [sflag:s8] =	dma.local @!p0 [hbm:s6], $0xF7A  }
0x23: {  	s9 =	sor.u32 $0xD0000000, s2;
	s6 =	simm.s32 $0x108;
	_ =	swait.ge @!p0 [sflag:s8], $0x0  }
0x24: {  	s3 =	sadd.s32 $0x88, s3;
	s6 =	simm.s32 @!p1 $0x1082;
	[sflag:s4] =	ssyncset.s32 $0xFFFFF086  }
0x25: {  	[simem:s6], [sflag:s4] =	dma.local [hbm:s3], $0xF7A  }
0x26: {  	[smem:$0x3F9B] =	sst s1;
	(tag) =	ssettag s2;
	_ =	strace s9  }
0x27: {  	s1 =	sld [smem:$0x3FAB]  }
0x28: {  	s2 =	sld [smem:$0x3FAC]  }
0x29: {  	s4 =	sld [smem:$0x3FAE]  }
0x2a: {  	p0 =	seq.s32 s5, $0x0;
	s5 =	sld [smem:$0x3FAF]  }
0x2b: {  	s6 =	sld [smem:$0x3FB0]  }
0x2c: {  	s7 =	sld [smem:$0x3FB1]  }
0x2d: {  	s3 =	simm.s32 $0x108;
	s8 =	sld [smem:$0x3FB2]  }
0x2e: {  	s3 =	simm.s32 @!p0 $0x1082;
	s9 =	sld [smem:$0x3FB3]  }
0x2f: {  	lr =	sadd.s32 s0, s3;
	s0 =	sld [smem:$0x3FAA]  }
0x30: {  	s3 =	sld [smem:$0x3FAD]  }
0x31: {  	[smem:$0x3FB6] =	sst s10  }
0x32: {  	s10 =	sld [smem:$0x3FB4];
	_ =	sdelay $0x3  }
0x33: {  	p0 =	seq.s32 s10, $0x1;
	s10 =	sld [smem:$0x3FB6];
	_ =	sdelay $0x3  }
0x34: {  	[smem:$0x3FB6] =	sst s10  }
0x35: {  	s10 =	sld [smem:$0x3FB5];
	_ =	sdelay $0x3  }
0x36: {  	p1 =	seq.s32 s10, $0x1;
	s10 =	sld [smem:$0x3FB6];
	_ =	sdelay $0x3  }
0x37: {  	[smem:$0x3FB6] =	sst s10  }
0x38: {  	s10 =	sld [smem:$0x3FB7]  }
0x39: {  	_ = 	snop;
	(pc) =	sbr.ind lr, $3  }
0x3a: {  	_ = 	snop  }
0x3b: {  	_ = 	snop  }
0x3c: {  	p2 =	seq.s32 s10, $0x1;
	s10 =	sld [smem:$0x3FB6]  }
0x3d: {  	_ =	shalt  }
0x3e: {  	_ =	shalt  }
0x3f: {  	_ =	shalt  }
0x40: {  	_ =	shalt  }
0x41: {  	_ =	shalt  }
0x42: {  	_ =	shalt  }
0x43: {  	_ =	shalt  }
0x44: {  	_ =	shalt  }
0x45: {  	_ =	shalt  }
0x46: {  	_ =	shalt  }
0x47: {  	_ =	shalt  }
0x48: {  	_ =	shalt  }
0x49: {  	_ =	shalt  }
0x4a: {  	_ =	shalt  }
0x4b: {  	_ =	shalt  }
0x4c: {  	_ =	shalt  }
0x4d: {  	_ =	shalt  }
0x4e: {  	_ =	shalt  }
0x4f: {  	_ =	shalt  }
0x50: {  	_ =	shalt  }
0x51: {  	_ =	shalt  }
0x52: {  	_ =	shalt  }
0x53: {  	_ =	shalt  }
0x54: {  	_ =	shalt  }
0x55: {  	_ =	shalt  }
0x56: {  	_ =	shalt  }
0x57: {  	_ =	shalt  }
0x58: {  	_ =	shalt  }
0x59: {  	_ =	shalt  }
0x5a: {  	_ =	shalt  }
0x5b: {  	_ =	shalt  }
0x5c: {  	_ =	shalt  }
0x5d: {  	_ =	shalt  }
0x5e: {  	_ =	shalt  }
0x5f: {  	_ =	shalt  }
0x60: {  	_ =	shalt  }
0x61: {  	_ =	shalt  }
0x62: {  	_ =	shalt  }
0x63: {  	_ =	shalt  }
0x64: {  	_ =	shalt  }
0x65: {  	_ =	shalt  }
0x66: {  	_ =	shalt  }
0x67: {  	_ =	shalt  }
0x68: {  	_ =	shalt  }
0x69: {  	_ =	shalt  }
0x6a: {  	_ =	shalt  }
0x6b: {  	_ =	shalt  }
0x6c: {  	_ =	shalt  }
0x6d: {  	_ =	shalt  }
0x6e: {  	_ =	shalt  }
0x6f: {  	_ =	shalt  }
0x70: {  	_ =	shalt  }
0x71: {  	_ =	shalt  }
0x72: {  	_ =	shalt  }
0x73: {  	_ =	shalt  }
0x74: {  	_ =	shalt  }
0x75: {  	_ =	shalt  }
0x76: {  	_ =	shalt  }
0x77: {  	_ =	shalt  }
0x78: {  	_ =	shalt  }
0x79: {  	_ =	shalt  }
0x7a: {  	_ =	shalt  }
0x7b: {  	_ =	shalt  }
0x7c: {  	_ =	shalt  }
0x7d: {  	_ =	shalt  }
0x7e: {  	_ =	shalt  }
0x7f: {  	_ =	shalt  }
0x80: {  	_ =	shalt  }
0x81: {  	_ =	shalt  }
0x82: {  	_ =	shalt  }
0x83: {  	_ =	shalt  }
0x84: {  	_ =	shalt  }
0x85: {  	_ =	shalt  }
0x86: {  	_ =	shalt  }
0x87: {  	_ =	shalt  }
.Lfunc_end0:
.L_simem_size_0:
called_computation_lowered:
.L_overlay_start_0:
0x88: {  	s2 =	sld [smem:$0x3FD9]  }
0x89: {  	s3 =	sld [smem:$0x3FFE];
	_ =	sdelay $0x1  }
0x8a: {  	s1 =	srdreg.scid  }
0x8b: {  	s0 =	sand.u32 $0x1, s1  }
0x8c: {  	s17 =	sshll.u32 s0, $0xA;
	s2 =	sadd.s32 s3, s2  }
0x8d: {  	s2 =	sadd.s32 s2, s17  }
0x8e: {  	[smem:$0x3FC2] =	sst s2  }
0x8f: {  	_ = 	snop  }
0x90: {  	s2 =	sld [smem:$0x3FD0];
	(tm) =	ssettm $0x1  }
0x91: {  	s18 =	sld [smem:$0x3FFB];
	_ =	sdelay $0x3  }
0x92: {  	_ =	strace s18  }
0x93: {  	s3 =	sld [smem:$0x3FFC];
	_ =	sdelay $0x3  }
0x94: {  	_ =	strace s3  }
0x95: {  	s3 =	sld [smem:$0x3FFD];
	_ =	sdelay $0x3  }
0x96: {  	_ =	strace s3  }
0x97: {  	_ =	strace $0x8FFFFFFF  }
0x98: {  	s19 =	sld [smem:$0x3FDB];
	_ =	sdelay $0x1  }
0x99: {  	s4 =	simm.s32 $_scs_section_size  }
0x9a: {  	s5 =	simm.s32 $_size__tile_overlayer_lowered;
	s6 =	simm.s32 $_tile_overlayer_lowered  }
0x9b: {  	s22 =	simm.s32 $0x1BFF;
	s21 =	sshll.u32 s6, $0x1;
	s3 =	sadd.s32 s4, s19  }
0x9c: {  	s7 =	simm.s32 $0x0;
	s20 =	sshll.u32 s5, $0x1;
	s5 =	sadd.s32 s21, s3  }
0x9d: {  	[timem:s7], [sflag:s22] =	dma.local [hbm:s5], s20  }
0x9e: {  	_ =	swait.ge [sflag:s22], s20  }
0x9f: {  	s4 =	ssub.s32 $0x0, s20;
	[sflag:s22] =	ssyncset.done $0x0  }
0xa0: {  	[sflag:s22] =	ssyncadd.s32 s4;
	_ =	sdelay $0x1  }
0xa1: {  	s23 =	simm.s32 $0x1B8B  }
0xa2: {  	_ =	swait.ge [sflag:s23], $0x1  }
0xa3: {  	[sflag:s23] =	ssyncset.done $0x0  }
0xa4: {  	s25 =	simm.s32 $0x1B8E;
	s24 =	sld [smem:$0x3FFE];
	[sflag:s23] =	ssyncadd.s32 $0xFFFFFFFF  }
0xa5: {  	s26 =	simm.s32 $execute0_lowered;
	[smem:$0x3FD2] =	sst s25  }
0xa6: {  	s5 =	sshll.u32 s26, $0x1;
	_ =	strace $0x80000046;
	[dreg:$0x1] =	wrdreg $0xFFFFFFFF  }
0xa7: {  	s28 =	simm.s32 $_size_execute0_lowered;
	s3 =	sadd.s32 s3, s5;
	[dreg:$0x0] =	wrdreg $0x0  }
0xa8: {  	s5 =	sshll.u32 s28, $0x1;
	[dreg:$0x2] =	wrdreg s3  }
0xa9: {  	[dreg:$0x3] =	wrdreg s5  }
0xaa: {  	[dreg:$0x4] =	wrdreg $0xC0  }
0xab: {  	_ =	task [dreg:s7], $0x5FFFF  }
0xac: {  	[dreg:$0x1] =	wrdreg $0xFFFFFFFF  }
0xad: {  	[dreg:$0x0] =	wrdreg $0x60  }
0xae: {  	[dreg:$0x2] =	wrdreg s24  }
0xaf: {  	[dreg:$0x3] =	wrdreg s2  }
0xb0: {  	[dreg:$0x4] =	wrdreg $0x49000  }
0xb1: {  	[dreg:$0x5] =	wrdreg $0x9  }
0xb2: {  	_ =	task.clear_ibuf [dreg:s7], $0x6FFFF;
	_ =	strace $0x90000046  }
0xb3: {  	s29 =	simm.s32 $0x9;
	_ =	strace $0x80000048  }
0xb4: {  	_ =	swait.ge [sflag:s29], $0x1  }
0xb5: {  	[sflag:s29] =	ssyncadd.s32 $0xFFFFFFFF  }
0xb6: {  	_ =	strace $0x90000048  }
0xb7: {  	_ =	sfence  }
0xb8: {  	s30 =	sld [smem:$0x0];
	_ =	sdelay $0x2  }
0xb9: {  	s31 =	sshll.u32 s1, $0xD;
	s1 =	sshrl.u32 s1, $0x2  }
0xba: {  	s3 =	sand.u32 $0x4000, s31;
	s1 =	sadd.s32 s1, s30  }
0xbb: {  	s0 =	sor.u32 s3, s0;
	s1 =	sshll.u32 s1, $0x11  }
0xbc: {  	s0 =	sor.u32 s1, s0  }
0xbd: {  	s0 =	sadd.s32 $0x8F2B, s0  }
0xbe: {  	[sflag:s0] =	ssyncadd.remote.s32 $0x1  }
0xbf: {  	_ =	sfence.sel $0xFFFF  }
0xc0: {  	[dreg:$0x0] =	wrdreg $0xFFFFFFFF;
	(pc) =	sbr.abs _section_cstart, $3  }
0xc1: {  	[dreg:$0x1] =	wrdreg $0xFFFFFFFF  }
0xc2: {  	_ =	task.clear_ibuf [dreg:s7], $0x2FFFF;
	_ =	strace $0x9FFFFFFF  }
0xc3: {  	(tm) =	ssettm $0x7FFFFFFF  }
tec
execute0_lowered:
.L_overlay_start_1:
0x0: {  	(tag) =	ssettag $0x1  }
0x1: {  	s5 =	rddreg [dreg:$0x0]  }
0x2: {  	s7 =	rddreg [dreg:$0x1];
	s0 =	srdreg.scid  }
0x3: {  	s1 =	rddreg [dreg:$0x2];
	s3 =	simm.s32 $0x0;
	s2 =	stileid.u32  }
0x4: {  	s15 =	simm.s32 $0x18900;
	s16 =	simm.s32 $0x80;
	s10 =	smul.u32 $0x14000, s2  }
0x5: {  	s17 =	simm.s32 $0x4800;
	s18 =	simm.s32 $0x4880;
	s31 =	smul.u32 $0x50000, s2  }
0x6: {  	s6 =	sand.u32 $0x1, s0;
	s0 =	rddreg [dreg:$0x3];
	s14 =	smul.u32 $0x4F0, s2  }
0x7: {  	s20 =	simm.s32 $0x0;
	[smem:$0x7FF] =	sst s3;
	s8 =	smul.u32 $0x4F00, s6  }
0x8: {  	s4 =	sadd.s32 $0xB200, s5;
	s19 =	sshll.u32 s2, $0x6;
	s9 =	smul.u32 $0x140000, s6  }
0x9: {  	_ =	strace $0x80000047;
	s30 =	sshll.u32 s6, $0x4;
	s6 =	ssub.s32 $0x2, s6  }
0xa: {  	s19 =	sor.u32 $0x1C01, s19;
	s11 =	sshrl.u32 s6, $0x1;
	s13 =	sadd.s32 s8, s5  }
0xb: {  	s29 =	sadd.s32 s10, s9;
	s9 =	sor.u32 s2, s30;
	s10 =	sshrl.u32 s31, $0x2  }
0xc: {  	s11 =	ssub.s32 s6, s11;
	s8 =	sshrl.u32 s29, $0x3;
	s9 =	smul.u32 $0x500, s9  }
0xd: {  	s13 =	sadd.s32 s14, s13;
	s14 =	simm.s32 $0x1;
	s8 =	sadd.s32 s8, s5  }
0xe: {  	s5 =	sadd.s32 s10, s1;
	s13 =	sadd.s32 $0x1400, s13;
	s6 =	sadd.s32 $0x33200, s8  }
0xf: {  	s7 =	sadd.s32 s7, s9;
	s8 =	smax.u32 s11, $0x1;
	s9 =	sadd.s32 $0x4000, s5  }
0x10: {  	v0 =	vimm.f32 $0.0e+00;
	v1 =	vimm.f32 $1.000000000e+00;
	s10 =	sadd.s32 $0x8000, s5;
	s11 =	sadd.s32 $0xC000, s5;
	s12 =	sadd.s32 $0x10000, s5  }
.LBB2_1:
0x11: {  	s21 =	simm.s32 $0x0;
	s22 =	simm.s32 $0x200  }
.LBB2_2:
0x12: {  	p0 =	sne.s32 s22, $0xFE00;
	[tilespmem:s21+$0x70] =	vst v0  }
0x13: {  	[tilespmem:s21+$0x0] =	vst v0  }
0x14: {  	[tilespmem:s21+$0x10] =	vst v0  }
.Ltmp0:
0x15: {  	[tilespmem:s21+$0x20] =	vst v0;
	(pc) =	sbr.rel @p0 .LBB2_2-.Ltmp0, $4  }
0x16: {  	[tilespmem:s21+$0x30] =	vst v0  }
0x17: {  	[tilespmem:s21+$0x40] =	vst v0  }
0x18: {  	[tilespmem:s21+$0x50] =	vst v0  }
0x19: {  	[tilespmem:s21+$0x60] =	vst v0;
	s21 =	sshra.s32 s22, $0x2;
	s22 =	sadd.s32 $0x200, s22  }
0x1a: {  	[tilespmem:s21+$0x70] =	vst v0  }
0x1b: {  	[tilespmem:s21+$0x0] =	vst v0  }
0x1c: {  	[tilespmem:s21+$0x10] =	vst v0  }
0x1d: {  	[tilespmem:s21+$0x20] =	vst v0  }
0x1e: {  	[tilespmem:s21+$0x30] =	vst v0  }
0x1f: {  	[tilespmem:s21+$0x40] =	vst v0  }
0x20: {  	[tilespmem:s21+$0x50] =	vst v0  }
0x21: {  	[tilespmem:s21+$0x60] =	vst v0;
	s31 =	simm.s32 $0x0  }
0x22: {  	[spmem:s5] =	stream.linear.scatter [tilespmem:s31], [sflag:$0x1], $0x4000, $0x38;
	[tilespmem:$0x1B100] =	vst v63  }
0x23: {  	_ =	swait.ge [sflag:s14], $0x4000  }
0x24: {  	[sflag:s14] =	ssyncset.done $0x0  }
0x25: {  	[sflag:s14] =	ssyncadd.s32 $0xFFFFC000  }
0x26: {  	[spmem:s9] =	stream.linear.scatter [tilespmem:s31], [sflag:$0x1], $0x4000, $0x38;
	[tilespmem:$0x1B100] =	vst v63  }
0x27: {  	_ =	swait.ge [sflag:s14], $0x4000  }
0x28: {  	[sflag:s14] =	ssyncset.done $0x0  }
0x29: {  	[sflag:s14] =	ssyncadd.s32 $0xFFFFC000  }
0x2a: {  	[spmem:s10] =	stream.linear.scatter [tilespmem:s31], [sflag:$0x1], $0x4000, $0x38;
	[tilespmem:$0x1B100] =	vst v63  }
0x2b: {  	_ =	swait.ge [sflag:s14], $0x4000  }
0x2c: {  	[sflag:s14] =	ssyncset.done $0x0  }
0x2d: {  	[sflag:s14] =	ssyncadd.s32 $0xFFFFC000  }
0x2e: {  	[spmem:s11] =	stream.linear.scatter [tilespmem:s31], [sflag:$0x1], $0x4000, $0x38;
	[tilespmem:$0x1B100] =	vst v63  }
0x2f: {  	_ =	swait.ge [sflag:s14], $0x4000  }
0x30: {  	[sflag:s14] =	ssyncset.done $0x0  }
0x31: {  	[sflag:s14] =	ssyncadd.s32 $0xFFFFC000  }
0x32: {  	[spmem:s12] =	stream.linear.scatter [tilespmem:s31], [sflag:$0x1], $0x4000, $0x38;
	[tilespmem:$0x1B100] =	vst v63  }
0x33: {  	_ =	swait.ge [sflag:s14], $0x4000  }
0x34: {  	[sflag:s14] =	ssyncset.done $0x0  }
0x35: {  	s21 =	simm.s32 $0x40;
	s22 =	simm.s32 $0x0;
	[sflag:s14] =	ssyncadd.s32 $0xFFFFC000  }
.LBB2_4:
0x36: {  	p0 =	sne.s32 s21, $0x9FC0;
	[tilespmem:s22+$0x18900] =	vst v0;
	s22 =	smov.u32 s21;
	s21 =	sadd.s32 $0x40, s21  }
.Ltmp1:
0x37: {  	(pc) =	sbr.rel @p0 .LBB2_4-.Ltmp1, $2  }
0x38: {  	_ =	sdelay $0x2  }
0x39: {  	s22 =	sshra.s32 s22, $0x2  }
0x3a: {  	[tilespmem:s22+$0x18900] =	vst v0  }
0x3b: {  	s21 =	simm.s32 $0x0;
	s22 =	smov.u32 s13;
	[bflag:$0x0] =	sbarrier.arrive $0xFFFF  }
.LBB2_6:
0x3c: {  	s23 =	sand.u32 $0x780, s21  }
0x3d: {  	p0 =	sne.s32 s23, $0x0  }
0x3e: {  	s24 =	simm.s32 @!p0 $0x0;
	s25 =	simm.s32 @!p0 $0x4000  }
0x3f: {  	[tilespmem:s25], [sflag:$0x1] =	stream.linear.gather @!p0 [hbm4b:s22+s24], $0x800, $0x38;
	[tilespmem:$0x1B100] =	vst v63  }
0x40: {  	s24 =	simm.s32 @!p0 $0x1  }
0x41: {  	_ =	swait.ge @!p0 [sflag:s24], $0x800  }
0x42: {  	[sflag:s24] =	ssyncset.done @!p0 $0x0  }
0x43: {  	[sflag:s24] =	ssyncadd.s32 @!p0 $0xFFFFF800  }
0x44: {  	v2 =	vld [tilespmem:s23+$0x4000];
	_ =	sdelay $0x4  }
0x45: {  	v3 =	vshrl.u32 v2, $0x10;
	_ =	sdelay $0x1  }
0x46: {  	v2 =	vand.u32 $0xFFFF, v2  }
0x47: {  	[tilespmem:$0x4800] =	vst v2  }
0x48: {  	[tilespmem:$0x4880] =	vst v3  }
0x49: {  	[tilespmem:v3+s15+$0x0] =	vst.idx.add.f32.msk $0xffff, v1  }
0x4a: {  	v2 =	vld [tilespmem:s23+$0x4010];
	_ =	sdelay $0x4  }
0x4b: {  	v3 =	vshrl.u32 v2, $0x10;
	_ =	sdelay $0x1  }
0x4c: {  	v2 =	vand.u32 $0xFFFF, v2  }
0x4d: {  	[tilespmem:$0x4810] =	vst v2  }
0x4e: {  	[tilespmem:$0x4890] =	vst v3  }
0x4f: {  	[tilespmem:v3+s15+$0x0] =	vst.idx.add.f32.msk $0xffff, v1  }
0x50: {  	v2 =	vld [tilespmem:s23+$0x4020];
	_ =	sdelay $0x4  }
0x51: {  	v3 =	vshrl.u32 v2, $0x10;
	_ =	sdelay $0x1  }
0x52: {  	v2 =	vand.u32 $0xFFFF, v2  }
0x53: {  	[tilespmem:$0x4820] =	vst v2  }
0x54: {  	[tilespmem:$0x48A0] =	vst v3  }
0x55: {  	[tilespmem:v3+s15+$0x0] =	vst.idx.add.f32.msk $0xffff, v1  }
0x56: {  	v2 =	vld [tilespmem:s23+$0x4030];
	_ =	sdelay $0x4  }
0x57: {  	v3 =	vshrl.u32 v2, $0x10;
	_ =	sdelay $0x1  }
0x58: {  	v2 =	vand.u32 $0xFFFF, v2  }
0x59: {  	[tilespmem:$0x4830] =	vst v2  }
0x5a: {  	[tilespmem:$0x48B0] =	vst v3  }
0x5b: {  	[tilespmem:v3+s15+$0x0] =	vst.idx.add.f32.msk $0xffff, v1  }
0x5c: {  	v2 =	vld [tilespmem:s23+$0x4040];
	_ =	sdelay $0x4  }
0x5d: {  	v3 =	vshrl.u32 v2, $0x10;
	_ =	sdelay $0x1  }
0x5e: {  	v2 =	vand.u32 $0xFFFF, v2  }
0x5f: {  	[tilespmem:$0x4840] =	vst v2  }
0x60: {  	[tilespmem:$0x48C0] =	vst v3  }
0x61: {  	[tilespmem:v3+s15+$0x0] =	vst.idx.add.f32.msk $0xffff, v1  }
0x62: {  	v2 =	vld [tilespmem:s23+$0x4050];
	_ =	sdelay $0x4  }
0x63: {  	v3 =	vshrl.u32 v2, $0x10;
	_ =	sdelay $0x1  }
0x64: {  	v2 =	vand.u32 $0xFFFF, v2  }
0x65: {  	[tilespmem:$0x4850] =	vst v2  }
0x66: {  	[tilespmem:$0x48D0] =	vst v3  }
0x67: {  	[tilespmem:v3+s15+$0x0] =	vst.idx.add.f32.msk $0xffff, v1  }
0x68: {  	v2 =	vld [tilespmem:s23+$0x4060];
	_ =	sdelay $0x4  }
0x69: {  	v3 =	vshrl.u32 v2, $0x10;
	_ =	sdelay $0x1  }
0x6a: {  	v2 =	vand.u32 $0xFFFF, v2  }
0x6b: {  	[tilespmem:$0x4860] =	vst v2  }
0x6c: {  	[tilespmem:$0x48E0] =	vst v3  }
0x6d: {  	[tilespmem:v3+s15+$0x0] =	vst.idx.add.f32.msk $0xffff, v1  }
0x6e: {  	v2 =	vld [tilespmem:s23+$0x4070];
	_ =	sdelay $0x4  }
0x6f: {  	v3 =	vshrl.u32 v2, $0x10;
	_ =	sdelay $0x1  }
0x70: {  	v2 =	vand.u32 $0xFFFF, v2  }
0x71: {  	[tilespmem:$0x4870] =	vst v2  }
0x72: {  	[tilespmem:$0x48F0] =	vst v3  }
0x73: {  	[tilespmem:v3+s15+$0x0] =	vst.idx.add.f32.msk $0xffff, v1  }
0x74: {  	[tilespmem:s3], [sflag:$0x1] =	stream.indirect.gather [hbm4b:s4+s16], $0x80, s17, s16, $0xb8;
	[tilespmem:$0x1B100] =	vst v63  }
0x75: {  	s21 =	sadd.s32 $0x80, s21;
	_ =	swait.ge [sflag:s14], $0x4000  }
0x76: {  	p0 =	sne.s32 s21, $0x2780;
	[sflag:s14] =	ssyncset.done $0x0  }
.Ltmp2:
0x77: {  	[sflag:s14] =	ssyncadd.s32 $0xFFFFC000;
	(pc) =	sbr.rel @p0 .LBB2_6-.Ltmp2, $4  }
0x78: {  	[spmem:s1] =	stream.indirect.scatter.add.f32 [tilespmem:s3], [sflag:$0x1], $0x80, s18, s16, $0xb8;
	[tilespmem:$0x1B100] =	vst v63  }
0x79: {  	_ =	swait.ge [sflag:s14], $0x4000  }
0x7a: {  	[sflag:s14] =	ssyncset.done $0x0  }
0x7b: {  	s22 =	sadd.s32 $0x10, s22;
	[sflag:s14] =	ssyncadd.s32 $0xFFFFC000  }
0x7c: {  	[bflag:$0x0] =	sbarrier.arrive $0xFFFF;
	s21 =	sshrl.u32 s5, $0x3  }
0x7d: {  	[hbm:s6], [sflag:s19] =	dma.local [spmem:s21], $0x2800  }
0x7e: {  	s20 =	sadd.s32 $0x1, s20;
	_ =	swait.ge [sflag:s14], $0x2800  }
0x7f: {  	p0 =	sne.s32 s20, s8;
	[sflag:s14] =	ssyncset.done $0x0  }
.Ltmp3:
0x80: {  	[sflag:s14] =	ssyncadd.s32 $0xFFFFD800;
	(pc) =	sbr.rel @p0 .LBB2_1-.Ltmp3, $4  }
0x81: {  	[hbm4b:s7+s3] =	stream.linear.scatter [tilespmem:s15], [sflag:$0x1], $0x2800, $0x38;
	[tilespmem:$0x1B100] =	vst v63  }
0x82: {  	_ =	swait.ge [sflag:s14], $0x2800  }
0x83: {  	[sflag:s14] =	ssyncset.done $0x0  }
0x84: {  	[sflag:s14] =	ssyncadd.s32 $0xFFFFD800  }
0x85: {  	_ =	sfence.sel $0x180000  }
0x86: {  	[bflag:$0x0] =	sbarrier.arrive $0xFFFF  }
0x87: {  	p0 =	sne.s32 s2, $0x0;
	_ =	strace $0x90000047  }
0x88: {  	s0 =	sadd.s32 @!p0 $0x100000, s0;
	[bflag:$0x2] =	sbarrier.arrive $0xFFFF  }
0x89: {  	[sflag:s0] =	ssyncadd.tile.s32 @!p0 $0x1;
	_ =	shalt  }
.Lfunc_end2:
_tile_overlayer_lowered:
.L_overlay_start_2:
0x8a: {  	(tag) =	ssettag $0x2  }
0x8b: {  	s0 =	rddreg [dreg:$0x0];
	s2 =	stileid.u32  }
0x8c: {  	s1 =	rddreg [dreg:$0x1];
	p0 =	sne.s32 s2, $0x0  }
0x8d: {  	s3 =	rddreg [dreg:$0x2];
	[bflag:$0x3] =	sbarrier.arrive $0xFFFF;
	s2 =	simm.s32 @!p0 $0x1C01  }
0x8e: {  	[timem:s3], [sflag:s2] =	dma.local @!p0 [hbm:s0], s1  }
0x8f: {  	s0 =	simm.s32 @!p0 $0x1  }
0x90: {  	_ =	swait.ge @!p0 [sflag:s0], s1  }
0x91: {  	s1 =	ssub.s32 @!p0 $0x0, s1;
	[sflag:s0] =	ssyncset.done @!p0 $0x0  }
0x92: {  	[sflag:s0] =	ssyncadd.s32 @!p0 s1  }
0x93: {  	[bflag:$0x3] =	sbarrier.arrive $0xFFFF  }
0x94: {  	_ =	shalt  }

// kernel: kernel.9.cloned.1.call-start
scs
__scs_entry_jumppad:
0x0: {  	(pc) =	sbr.rel $0x88, $3  }
0x1: {  	(tag) =	ssettag $0x0;
	lr =	simm.s32 $0x1  }
0x2: {  	[smem:$0x3F9B] =	sst lr;
	_ =	strace $0xD0000000  }
0x3: {  	_ = 	snop  }
0x4: {  	_ = 	snop  }
0x5: {  	_ = 	snop  }
0x6: {  	_ = 	snop  }
0x7: {  	_ = 	snop  }
__scs_overlays_trampoline_lowered:
0x8: {  	[smem:$0x3FAA] =	sst s0  }
0x9: {  	[smem:$0x3FAB] =	sst s1  }
0xa: {  	[smem:$0x3FAC] =	sst s2  }
0xb: {  	[smem:$0x3FAD] =	sst s3  }
0xc: {  	[smem:$0x3FAE] =	sst s4  }
0xd: {  	[smem:$0x3FAF] =	sst s5  }
0xe: {  	[smem:$0x3FB0] =	sst s6  }
0xf: {  	[smem:$0x3FB1] =	sst s7  }
0x10: {  	[smem:$0x3FB2] =	sst s8  }
0x11: {  	[smem:$0x3FB3] =	sst s9;
	s0 =	simm.s32 @!p0 $0x0  }
0x12: {  	s1 =	sld [smem:$0x3F99];
	s0 =	simm.s32 @p0 $0x1  }
0x13: {  	[smem:$0x3FB4] =	sst s0;
	s0 =	simm.s32 @!p1 $0x0  }
0x14: {  	s2 =	sld [smem:$0x3F98];
	s0 =	simm.s32 @p1 $0x1  }
0x15: {  	[smem:$0x3FB5] =	sst s0;
	s0 =	simm.s32 @!p2 $0x0  }
0x16: {  	s3 =	sld [smem:$0x3FDB];
	s0 =	simm.s32 @p2 $0x1  }
0x17: {  	s4 =	simm.s32 $0x1BF5;
	[smem:$0x3FB7] =	sst s0  }
0x18: {  	s0 =	sld [smem:$0x3F9A];
	_ =	swait.ge [sflag:s4], $0x0  }
0x19: {  	s7 =	sld [smem:$0x3F9B]  }
0x1a: {  	s8 =	sadd.s32 $0xFFFFE003, lr  }
0x1b: {  	s9 =	sadd.s32 $0xFFFFFEF7, lr;
	s5 =	simm.s32 $0xFFFFFFFF;
	p2 =	slt.u32 s8, $0xFFFFF086  }
0x1c: {  	p1 =	slt.u32 s9, $0xF7A;
	s5 =	simm.s32 @!p2 $0x0  }
0x1d: {  	s5 =	simm.s32 @p1 $0x1;
	p0 =	seq.s32 s7, s2  }
0x1e: {  	s7 =	smul.u32 @!p0 $0xF7A, s2;
	p2 =	seq.s32 @!p0 s5, $0x0  }
0x1f: {  	s9 =	smul.u32 $0xF7A, s1;
	s8 =	simm.s32 @!p0 $0x1BF5;
	p2 =	por !p2, p0  }
0x20: {  	[sflag:s8] =	ssyncset.s32 @!p0 $0xFFFFF086;
	s6 =	sadd.s32 @!p0 s3, s7;
	s7 =	simm.s32 @!p0 $0x108  }
0x21: {  	s3 =	sadd.s32 s3, s9;
	s6 =	sadd.s32 @!p0 $0x88, s6;
	s7 =	simm.s32 @p2 $0x1082  }
0x22: {  	[simem:s7], [sflag:s8] =	dma.local @!p0 [hbm:s6], $0xF7A  }
0x23: {  	s9 =	sor.u32 $0xD0000000, s2;
	s6 =	simm.s32 $0x108;
	_ =	swait.ge @!p0 [sflag:s8], $0x0  }
0x24: {  	s3 =	sadd.s32 $0x88, s3;
	s6 =	simm.s32 @!p1 $0x1082;
	[sflag:s4] =	ssyncset.s32 $0xFFFFF086  }
0x25: {  	[simem:s6], [sflag:s4] =	dma.local [hbm:s3], $0xF7A  }
0x26: {  	[smem:$0x3F9B] =	sst s1;
	(tag) =	ssettag s2;
	_ =	strace s9  }
0x27: {  	s1 =	sld [smem:$0x3FAB]  }
0x28: {  	s2 =	sld [smem:$0x3FAC]  }
0x29: {  	s4 =	sld [smem:$0x3FAE]  }
0x2a: {  	p0 =	seq.s32 s5, $0x0;
	s5 =	sld [smem:$0x3FAF]  }
0x2b: {  	s6 =	sld [smem:$0x3FB0]  }
0x2c: {  	s7 =	sld [smem:$0x3FB1]  }
0x2d: {  	s3 =	simm.s32 $0x108;
	s8 =	sld [smem:$0x3FB2]  }
0x2e: {  	s3 =	simm.s32 @!p0 $0x1082;
	s9 =	sld [smem:$0x3FB3]  }
0x2f: {  	lr =	sadd.s32 s0, s3;
	s0 =	sld [smem:$0x3FAA]  }
0x30: {  	s3 =	sld [smem:$0x3FAD]  }
0x31: {  	[smem:$0x3FB6] =	sst s10  }
0x32: {  	s10 =	sld [smem:$0x3FB4];
	_ =	sdelay $0x3  }
0x33: {  	p0 =	seq.s32 s10, $0x1;
	s10 =	sld [smem:$0x3FB6];
	_ =	sdelay $0x3  }
0x34: {  	[smem:$0x3FB6] =	sst s10  }
0x35: {  	s10 =	sld [smem:$0x3FB5];
	_ =	sdelay $0x3  }
0x36: {  	p1 =	seq.s32 s10, $0x1;
	s10 =	sld [smem:$0x3FB6];
	_ =	sdelay $0x3  }
0x37: {  	[smem:$0x3FB6] =	sst s10  }
0x38: {  	s10 =	sld [smem:$0x3FB7]  }
0x39: {  	_ = 	snop;
	(pc) =	sbr.ind lr, $3  }
0x3a: {  	_ = 	snop  }
0x3b: {  	_ = 	snop  }
0x3c: {  	p2 =	seq.s32 s10, $0x1;
	s10 =	sld [smem:$0x3FB6]  }
0x3d: {  	_ =	shalt  }
0x3e: {  	_ =	shalt  }
0x3f: {  	_ =	shalt  }
0x40: {  	_ =	shalt  }
0x41: {  	_ =	shalt  }
0x42: {  	_ =	shalt  }
0x43: {  	_ =	shalt  }
0x44: {  	_ =	shalt  }
0x45: {  	_ =	shalt  }
0x46: {  	_ =	shalt  }
0x47: {  	_ =	shalt  }
0x48: {  	_ =	shalt  }
0x49: {  	_ =	shalt  }
0x4a: {  	_ =	shalt  }
0x4b: {  	_ =	shalt  }
0x4c: {  	_ =	shalt  }
0x4d: {  	_ =	shalt  }
0x4e: {  	_ =	shalt  }
0x4f: {  	_ =	shalt  }
0x50: {  	_ =	shalt  }
0x51: {  	_ =	shalt  }
0x52: {  	_ =	shalt  }
0x53: {  	_ =	shalt  }
0x54: {  	_ =	shalt  }
0x55: {  	_ =	shalt  }
0x56: {  	_ =	shalt  }
0x57: {  	_ =	shalt  }
0x58: {  	_ =	shalt  }
0x59: {  	_ =	shalt  }
0x5a: {  	_ =	shalt  }
0x5b: {  	_ =	shalt  }
0x5c: {  	_ =	shalt  }
0x5d: {  	_ =	shalt  }
0x5e: {  	_ =	shalt  }
0x5f: {  	_ =	shalt  }
0x60: {  	_ =	shalt  }
0x61: {  	_ =	shalt  }
0x62: {  	_ =	shalt  }
0x63: {  	_ =	shalt  }
0x64: {  	_ =	shalt  }
0x65: {  	_ =	shalt  }
0x66: {  	_ =	shalt  }
0x67: {  	_ =	shalt  }
0x68: {  	_ =	shalt  }
0x69: {  	_ =	shalt  }
0x6a: {  	_ =	shalt  }
0x6b: {  	_ =	shalt  }
0x6c: {  	_ =	shalt  }
0x6d: {  	_ =	shalt  }
0x6e: {  	_ =	shalt  }
0x6f: {  	_ =	shalt  }
0x70: {  	_ =	shalt  }
0x71: {  	_ =	shalt  }
0x72: {  	_ =	shalt  }
0x73: {  	_ =	shalt  }
0x74: {  	_ =	shalt  }
0x75: {  	_ =	shalt  }
0x76: {  	_ =	shalt  }
0x77: {  	_ =	shalt  }
0x78: {  	_ =	shalt  }
0x79: {  	_ =	shalt  }
0x7a: {  	_ =	shalt  }
0x7b: {  	_ =	shalt  }
0x7c: {  	_ =	shalt  }
0x7d: {  	_ =	shalt  }
0x7e: {  	_ =	shalt  }
0x7f: {  	_ =	shalt  }
0x80: {  	_ =	shalt  }
0x81: {  	_ =	shalt  }
0x82: {  	_ =	shalt  }
0x83: {  	_ =	shalt  }
0x84: {  	_ =	shalt  }
0x85: {  	_ =	shalt  }
0x86: {  	_ =	shalt  }
0x87: {  	_ =	shalt  }
.Lfunc_end0:
.L_simem_size_0:
called_computation.1_lowered:
.L_overlay_start_0:
0x88: {  	s2 =	sld [smem:$0x3FD9]  }
0x89: {  	s3 =	sld [smem:$0x3FFE];
	_ =	sdelay $0x1  }
0x8a: {  	s1 =	srdreg.scid  }
0x8b: {  	s0 =	sand.u32 $0x1, s1  }
0x8c: {  	s16 =	sshll.u32 s0, $0xA;
	s2 =	sadd.s32 s3, s2  }
0x8d: {  	s2 =	sadd.s32 s2, s16  }
0x8e: {  	[smem:$0x3FC2] =	sst s2  }
0x8f: {  	_ = 	snop  }
0x90: {  	(tm) =	ssettm $0x1  }
0x91: {  	s17 =	sld [smem:$0x3FFB];
	_ =	sdelay $0x3  }
0x92: {  	_ =	strace s17  }
0x93: {  	s2 =	sld [smem:$0x3FFC];
	_ =	sdelay $0x3  }
0x94: {  	_ =	strace s2  }
0x95: {  	s2 =	sld [smem:$0x3FFD];
	_ =	sdelay $0x3  }
0x96: {  	_ =	strace s2  }
0x97: {  	_ =	strace $0x8FFFFFFF  }
0x98: {  	s18 =	sld [smem:$0x3FDB];
	_ =	sdelay $0x1  }
0x99: {  	s19 =	simm.s32 $_scs_section_size  }
0x9a: {  	s4 =	simm.s32 $_size__tile_overlayer_lowered;
	s5 =	simm.s32 $_tile_overlayer_lowered  }
0x9b: {  	s22 =	simm.s32 $0x1BFF;
	s21 =	sshll.u32 s5, $0x1;
	s2 =	sadd.s32 s19, s18  }
0x9c: {  	s6 =	simm.s32 $0x0;
	s20 =	sshll.u32 s4, $0x1;
	s4 =	sadd.s32 s21, s2  }
0x9d: {  	[timem:s6], [sflag:s22] =	dma.local [hbm:s4], s20  }
0x9e: {  	_ =	swait.ge [sflag:s22], s20  }
0x9f: {  	s3 =	ssub.s32 $0x0, s20;
	[sflag:s22] =	ssyncset.done $0x0  }
0xa0: {  	[sflag:s22] =	ssyncadd.s32 s3;
	_ =	sdelay $0x1  }
0xa1: {  	s23 =	simm.s32 $0x1B8B  }
0xa2: {  	_ =	swait.ge [sflag:s23], $0x1  }
0xa3: {  	[sflag:s23] =	ssyncset.done $0x0  }
0xa4: {  	s25 =	simm.s32 $0x1B8E;
	s24 =	sld [smem:$0x3FFE];
	[sflag:s23] =	ssyncadd.s32 $0xFFFFFFFF  }
0xa5: {  	s26 =	simm.s32 $execute0_lowered;
	[smem:$0x3FD2] =	sst s25  }
0xa6: {  	s4 =	sshll.u32 s26, $0x1;
	_ =	strace $0x80000049;
	[dreg:$0x1] =	wrdreg $0xFFFFFFFF  }
0xa7: {  	s28 =	simm.s32 $_size_execute0_lowered;
	s2 =	sadd.s32 s2, s4;
	[dreg:$0x0] =	wrdreg $0x0  }
0xa8: {  	s4 =	sshll.u32 s28, $0x1;
	[dreg:$0x2] =	wrdreg s2  }
0xa9: {  	[dreg:$0x3] =	wrdreg s4  }
0xaa: {  	[dreg:$0x4] =	wrdreg $0xC0  }
0xab: {  	_ =	task [dreg:s6], $0x5FFFF  }
0xac: {  	[dreg:$0x1] =	wrdreg $0xFFFFFFFF  }
0xad: {  	[dreg:$0x0] =	wrdreg $0x60  }
0xae: {  	[dreg:$0x2] =	wrdreg s24  }
0xaf: {  	[dreg:$0x3] =	wrdreg $0x49000  }
0xb0: {  	[dreg:$0x4] =	wrdreg $0x9  }
0xb1: {  	_ =	task.clear_ibuf [dreg:s6], $0x5FFFF;
	_ =	strace $0x90000049  }
0xb2: {  	s29 =	simm.s32 $0x9;
	_ =	strace $0x8000004B  }
0xb3: {  	_ =	swait.ge [sflag:s29], $0x1  }
0xb4: {  	[sflag:s29] =	ssyncadd.s32 $0xFFFFFFFF  }
0xb5: {  	_ =	strace $0x9000004B  }
0xb6: {  	_ =	sfence  }
0xb7: {  	s30 =	sld [smem:$0x0];
	_ =	sdelay $0x2  }
0xb8: {  	s31 =	sshll.u32 s1, $0xD;
	s1 =	sshrl.u32 s1, $0x2  }
0xb9: {  	s3 =	sand.u32 $0x4000, s31;
	s1 =	sadd.s32 s1, s30  }
0xba: {  	s0 =	sor.u32 s3, s0;
	s1 =	sshll.u32 s1, $0x11  }
0xbb: {  	s0 =	sor.u32 s1, s0  }
0xbc: {  	s0 =	sadd.s32 $0x8F2B, s0  }
0xbd: {  	[sflag:s0] =	ssyncadd.remote.s32 $0x1  }
0xbe: {  	_ =	sfence.sel $0xFFFF  }
0xbf: {  	[dreg:$0x0] =	wrdreg $0xFFFFFFFF;
	(pc) =	sbr.abs _section_cstart, $3  }
0xc0: {  	[dreg:$0x1] =	wrdreg $0xFFFFFFFF  }
0xc1: {  	_ =	task.clear_ibuf [dreg:s6], $0x2FFFF;
	_ =	strace $0x9FFFFFFF  }
0xc2: {  	(tm) =	ssettm $0x7FFFFFFF  }
0xc3: {  	_ =	shalt  }
tec
execute0_lowered:
.L_overlay_start_1:
0x0: {  	(tag) =	ssettag $0x1  }
0x1: {  	s5 =	rddreg [dreg:$0x0]  }
0x2: {  	s1 =	rddreg [dreg:$0x1]  }
0x3: {  	s2 =	srdreg.scid;
	s0 =	rddreg [dreg:$0x2]  }
0x4: {  	s3 =	simm.s32 $0x0;
	s14 =	simm.s32 $0x80;
	s6 =	sand.u32 $0x1, s2  }
0x5: {  	s15 =	simm.s32 $0x4800;
	s2 =	stileid.u32;
	s7 =	smul.u32 $0x140000, s6  }
0x6: {  	s16 =	simm.s32 $0x4880;
	s19 =	simm.s32 $0x0;
	s8 =	smul.u32 $0x14000, s2  }
0x7: {  	[smem:$0x7FF] =	sst s3;
	s4 =	sadd.s32 $0xB200, s5;
	s9 =	smul.u32 $0x4F00, s6  }
0x8: {  	_ =	strace $0x8000004A;
	s6 =	ssub.s32 $0x2, s6;
	s29 =	smul.u32 $0x50000, s2  }
0x9: {  	s13 =	smul.u32 $0x4F0, s2;
	s17 =	sshll.u32 s2, $0x6;
	s30 =	sshrl.u32 s6, $0x1  }
0xa: {  	s17 =	sor.u32 $0x1C01, s17;
	s7 =	sadd.s32 s8, s7;
	s12 =	sadd.s32 s9, s5  }
0xb: {  	s9 =	ssub.s32 s6, s30;
	s31 =	sshrl.u32 s29, $0x2;
	s7 =	sshrl.u32 s7, $0x3  }
0xc: {  	s12 =	sadd.s32 s13, s12;
	s13 =	simm.s32 $0x1;
	s7 =	sadd.s32 s7, s5  }
0xd: {  	s5 =	sadd.s32 s31, s1;
	s12 =	sadd.s32 $0x1400, s12;
	s6 =	sadd.s32 $0x33200, s7  }
0xe: {  	s7 =	smax.u32 s9, $0x1;
	s8 =	sadd.s32 $0x4000, s5;
	s9 =	sadd.s32 $0x8000, s5  }
0xf: {  	v0 =	vimm.f32 $0.0e+00;
	s10 =	sadd.s32 $0xC000, s5;
	s11 =	sadd.s32 $0x10000, s5;
	s18 =	sshrl.u32 s5, $0x3  }
.LBB2_1:
0x10: {  	s20 =	simm.s32 $0x0;
	s21 =	simm.s32 $0x200  }
.LBB2_2:
0x11: {  	p0 =	sne.s32 s21, $0xFE00;
	[tilespmem:s20+$0x70] =	vst v0  }
0x12: {  	[tilespmem:s20+$0x0] =	vst v0  }
0x13: {  	[tilespmem:s20+$0x10] =	vst v0  }
.Ltmp0:
0x14: {  	[tilespmem:s20+$0x20] =	vst v0;
	(pc) =	sbr.rel @p0 .LBB2_2-.Ltmp0, $4  }
0x15: {  	[tilespmem:s20+$0x30] =	vst v0  }
0x16: {  	[tilespmem:s20+$0x40] =	vst v0  }
0x17: {  	[tilespmem:s20+$0x50] =	vst v0  }
0x18: {  	[tilespmem:s20+$0x60] =	vst v0;
	s20 =	sshra.s32 s21, $0x2;
	s21 =	sadd.s32 $0x200, s21  }
0x19: {  	[tilespmem:s20+$0x70] =	vst v0  }
0x1a: {  	[tilespmem:s20+$0x0] =	vst v0  }
0x1b: {  	[tilespmem:s20+$0x10] =	vst v0  }
0x1c: {  	[tilespmem:s20+$0x20] =	vst v0  }
0x1d: {  	[tilespmem:s20+$0x30] =	vst v0  }
0x1e: {  	[tilespmem:s20+$0x40] =	vst v0  }
0x1f: {  	[tilespmem:s20+$0x50] =	vst v0  }
0x20: {  	[tilespmem:s20+$0x60] =	vst v0;
	s31 =	simm.s32 $0x0  }
0x21: {  	[spmem:s5] =	stream.linear.scatter [tilespmem:s31], [sflag:$0x1], $0x4000, $0x38;
	[tilespmem:$0x18900] =	vst v63  }
0x22: {  	_ =	swait.ge [sflag:s13], $0x4000  }
0x23: {  	[sflag:s13] =	ssyncset.done $0x0  }
0x24: {  	[sflag:s13] =	ssyncadd.s32 $0xFFFFC000  }
0x25: {  	[spmem:s8] =	stream.linear.scatter [tilespmem:s31], [sflag:$0x1], $0x4000, $0x38;
	[tilespmem:$0x18900] =	vst v63  }
0x26: {  	_ =	swait.ge [sflag:s13], $0x4000  }
0x27: {  	[sflag:s13] =	ssyncset.done $0x0  }
0x28: {  	[sflag:s13] =	ssyncadd.s32 $0xFFFFC000  }
0x29: {  	[spmem:s9] =	stream.linear.scatter [tilespmem:s31], [sflag:$0x1], $0x4000, $0x38;
	[tilespmem:$0x18900] =	vst v63  }
0x2a: {  	_ =	swait.ge [sflag:s13], $0x4000  }
0x2b: {  	[sflag:s13] =	ssyncset.done $0x0  }
0x2c: {  	[sflag:s13] =	ssyncadd.s32 $0xFFFFC000  }
0x2d: {  	[spmem:s10] =	stream.linear.scatter [tilespmem:s31], [sflag:$0x1], $0x4000, $0x38;
	[tilespmem:$0x18900] =	vst v63  }
0x2e: {  	_ =	swait.ge [sflag:s13], $0x4000  }
0x2f: {  	[sflag:s13] =	ssyncset.done $0x0  }
0x30: {  	[sflag:s13] =	ssyncadd.s32 $0xFFFFC000  }
0x31: {  	[spmem:s11] =	stream.linear.scatter [tilespmem:s31], [sflag:$0x1], $0x4000, $0x38;
	[tilespmem:$0x18900] =	vst v63  }
0x32: {  	s20 =	sand.u32 $0x780, s31;
	_ =	swait.ge [sflag:s13], $0x4000  }
0x33: {  	p0 =	sne.s32 s20, $0x0;
	[sflag:s13] =	ssyncset.done $0x0  }
0x34: {  	s21 =	simm.s32 @!p0 $0x0;
	[sflag:s13] =	ssyncadd.s32 $0xFFFFC000  }
0x35: {  	s22 =	simm.s32 @!p0 $0x4000;
	s23 =	simm.s32 @!p0 $0x1;
	[bflag:$0x0] =	sbarrier.arrive $0xFFFF  }
0x36: {  	[tilespmem:s22], [sflag:$0x1] =	stream.linear.gather @!p0 [hbm4b:s12+s21], $0x800, $0x38;
	[tilespmem:$0x18900] =	vst v63  }
0x37: {  	_ =	swait.ge @!p0 [sflag:s23], $0x800  }
0x38: {  	[sflag:s23] =	ssyncset.done @!p0 $0x0  }
0x39: {  	[sflag:s23] =	ssyncadd.s32 @!p0 $0xFFFFF800  }
0x3a: {  	v1 =	vld [tilespmem:s20+$0x4000];
	_ =	sdelay $0x4  }
0x3b: {  	v2 =	vand.u32 $0xFFFF, v1  }
0x3c: {  	v1 =	vshrl.u32 v1, $0x10;
	[tilespmem:$0x4800] =	vst v2  }
0x3d: {  	[tilespmem:$0x4880] =	vst v1  }
0x3e: {  	v1 =	vld [tilespmem:s20+$0x4010];
	_ =	sdelay $0x4  }
0x3f: {  	v2 =	vand.u32 $0xFFFF, v1  }
0x40: {  	v1 =	vshrl.u32 v1, $0x10;
	[tilespmem:$0x4810] =	vst v2  }
0x41: {  	[tilespmem:$0x4890] =	vst v1  }
0x42: {  	v1 =	vld [tilespmem:s20+$0x4020];
	_ =	sdelay $0x4  }
0x43: {  	v2 =	vand.u32 $0xFFFF, v1  }
0x44: {  	v1 =	vshrl.u32 v1, $0x10;
	[tilespmem:$0x4820] =	vst v2  }
0x45: {  	[tilespmem:$0x48A0] =	vst v1  }
0x46: {  	v1 =	vld [tilespmem:s20+$0x4030];
	_ =	sdelay $0x4  }
0x47: {  	v2 =	vand.u32 $0xFFFF, v1  }
0x48: {  	v1 =	vshrl.u32 v1, $0x10;
	[tilespmem:$0x4830] =	vst v2  }
0x49: {  	[tilespmem:$0x48B0] =	vst v1  }
0x4a: {  	v1 =	vld [tilespmem:s20+$0x4040];
	_ =	sdelay $0x4  }
0x4b: {  	v2 =	vand.u32 $0xFFFF, v1  }
0x4c: {  	v1 =	vshrl.u32 v1, $0x10;
	[tilespmem:$0x4840] =	vst v2  }
0x4d: {  	[tilespmem:$0x48C0] =	vst v1  }
0x4e: {  	v1 =	vld [tilespmem:s20+$0x4050];
	_ =	sdelay $0x4  }
0x4f: {  	v2 =	vand.u32 $0xFFFF, v1  }
0x50: {  	v1 =	vshrl.u32 v1, $0x10;
	[tilespmem:$0x4850] =	vst v2  }
0x51: {  	[tilespmem:$0x48D0] =	vst v1  }
0x52: {  	v1 =	vld [tilespmem:s20+$0x4060];
	_ =	sdelay $0x4  }
0x53: {  	v2 =	vand.u32 $0xFFFF, v1  }
0x54: {  	v1 =	vshrl.u32 v1, $0x10;
	[tilespmem:$0x4860] =	vst v2  }
0x55: {  	[tilespmem:$0x48E0] =	vst v1  }
0x56: {  	v1 =	vld [tilespmem:s20+$0x4070];
	_ =	sdelay $0x4  }
0x57: {  	s21 =	smov.u32 s12;
	s20 =	simm.s32 $0x80;
	v2 =	vand.u32 $0xFFFF, v1;
	v1 =	vshrl.u32 v1, $0x10  }
.LBB2_4:
0x58: {  	[tilespmem:$0x4870] =	vst v2;
	s21 =	sadd.s32 $0x10, s21;
	s22 =	smov.u32 s20;
	s20 =	sadd.s32 $0x80, s20  }
0x59: {  	p0 =	sne.s32 s20, $0x2780;
	[tilespmem:$0x48F0] =	vst v1  }
0x5a: {  	[tilespmem:s3], [sflag:$0x1] =	stream.indirect.gather [hbm4b:s4+s14], $0x80, s15, s14, $0xb8;
	[tilespmem:$0x18900] =	vst v63  }
0x5b: {  	_ =	swait.ge [sflag:s13], $0x4000  }
0x5c: {  	[sflag:s13] =	ssyncset.done $0x0  }
0x5d: {  	s22 =	sand.u32 $0x780, s22;
	[sflag:s13] =	ssyncadd.s32 $0xFFFFC000  }
0x5e: {  	[spmem:s1] =	stream.indirect.scatter.add.f32 [tilespmem:s3], [sflag:$0x1], $0x80, s16, s14, $0xb8;
	[tilespmem:$0x18900] =	vst v63  }
0x5f: {  	p1 =	sne.s32 s22, $0x0;
	_ =	swait.ge [sflag:s13], $0x4000  }
0x60: {  	s23 =	simm.s32 @!p1 $0x0;
	s24 =	simm.s32 @!p1 $0x4000;
	[sflag:s13] =	ssyncset.done $0x0  }
0x61: {  	s25 =	simm.s32 @!p1 $0x1;
	[sflag:s13] =	ssyncadd.s32 $0xFFFFC000  }
0x62: {  	[tilespmem:s24], [sflag:$0x1] =	stream.linear.gather @!p1 [hbm4b:s21+s23], $0x800, $0x38;
	[tilespmem:$0x18900] =	vst v63  }
0x63: {  	_ =	swait.ge @!p1 [sflag:s25], $0x800  }
0x64: {  	[sflag:s25] =	ssyncset.done @!p1 $0x0  }
0x65: {  	[sflag:s25] =	ssyncadd.s32 @!p1 $0xFFFFF800  }
0x66: {  	v1 =	vld [tilespmem:s22+$0x4000];
	_ =	sdelay $0x4  }
0x67: {  	v2 =	vand.u32 $0xFFFF, v1;
	v1 =	vshrl.u32 v1, $0x10  }
0x68: {  	[tilespmem:$0x4800] =	vst v2  }
0x69: {  	[tilespmem:$0x4880] =	vst v1  }
0x6a: {  	v1 =	vld [tilespmem:s22+$0x4010];
	_ =	sdelay $0x4  }
0x6b: {  	v2 =	vand.u32 $0xFFFF, v1;
	v1 =	vshrl.u32 v1, $0x10  }
0x6c: {  	[tilespmem:$0x4810] =	vst v2  }
0x6d: {  	[tilespmem:$0x4890] =	vst v1  }
0x6e: {  	v1 =	vld [tilespmem:s22+$0x4020];
	_ =	sdelay $0x4  }
0x6f: {  	v2 =	vand.u32 $0xFFFF, v1;
	v1 =	vshrl.u32 v1, $0x10  }
0x70: {  	[tilespmem:$0x4820] =	vst v2  }
0x71: {  	[tilespmem:$0x48A0] =	vst v1  }
0x72: {  	v1 =	vld [tilespmem:s22+$0x4030];
	_ =	sdelay $0x4  }
0x73: {  	v2 =	vand.u32 $0xFFFF, v1;
	v1 =	vshrl.u32 v1, $0x10  }
0x74: {  	[tilespmem:$0x4830] =	vst v2  }
0x75: {  	[tilespmem:$0x48B0] =	vst v1  }
0x76: {  	v1 =	vld [tilespmem:s22+$0x4040];
	_ =	sdelay $0x4  }
0x77: {  	v2 =	vand.u32 $0xFFFF, v1;
	v1 =	vshrl.u32 v1, $0x10  }
0x78: {  	[tilespmem:$0x4840] =	vst v2  }
0x79: {  	[tilespmem:$0x48C0] =	vst v1  }
0x7a: {  	v1 =	vld [tilespmem:s22+$0x4050];
	_ =	sdelay $0x4  }
0x7b: {  	v2 =	vand.u32 $0xFFFF, v1;
	v1 =	vshrl.u32 v1, $0x10  }
0x7c: {  	[tilespmem:$0x4850] =	vst v2  }
0x7d: {  	[tilespmem:$0x48D0] =	vst v1  }
0x7e: {  	v1 =	vld [tilespmem:s22+$0x4060];
	_ =	sdelay $0x4  }
0x7f: {  	v2 =	vand.u32 $0xFFFF, v1;
	v1 =	vshrl.u32 v1, $0x10  }
0x80: {  	[tilespmem:$0x4860] =	vst v2  }
0x81: {  	[tilespmem:$0x48E0] =	vst v1  }
0x82: {  	v1 =	vld [tilespmem:s22+$0x4070]  }
.Ltmp1:
0x83: {  	(pc) =	sbr.rel @p0 .LBB2_4-.Ltmp1, $2  }
0x84: {  	_ =	sdelay $0x2  }
0x85: {  	v2 =	vand.u32 $0xFFFF, v1;
	v1 =	vshrl.u32 v1, $0x10  }
0x86: {  	[tilespmem:$0x4870] =	vst v2  }
0x87: {  	[tilespmem:$0x48F0] =	vst v1  }
0x88: {  	[tilespmem:s3], [sflag:$0x1] =	stream.indirect.gather [hbm4b:s4+s14], $0x80, s15, s14, $0xb8;
	[tilespmem:$0x18900] =	vst v63  }
0x89: {  	_ =	swait.ge [sflag:s13], $0x4000  }
0x8a: {  	[sflag:s13] =	ssyncset.done $0x0  }
0x8b: {  	[sflag:s13] =	ssyncadd.s32 $0xFFFFC000  }
0x8c: {  	[spmem:s1] =	stream.indirect.scatter.add.f32 [tilespmem:s3], [sflag:$0x1], $0x80, s16, s14, $0xb8;
	[tilespmem:$0x18900] =	vst v63  }
0x8d: {  	_ =	swait.ge [sflag:s13], $0x4000  }
0x8e: {  	s19 =	sadd.s32 $0x1, s19;
	[sflag:s13] =	ssyncset.done $0x0  }
0x8f: {  	p0 =	sne.s32 s19, s7;
	[sflag:s13] =	ssyncadd.s32 $0xFFFFC000  }
.Ltmp2:
0x90: {  	[bflag:$0x0] =	sbarrier.arrive $0xFFFF;
	(pc) =	sbr.rel @p0 .LBB2_1-.Ltmp2, $4  }
0x91: {  	[hbm:s6], [sflag:s17] =	dma.local [spmem:s18], $0x2800  }
0x92: {  	_ =	swait.ge [sflag:s13], $0x2800  }
0x93: {  	[sflag:s13] =	ssyncset.done $0x0  }
0x94: {  	[sflag:s13] =	ssyncadd.s32 $0xFFFFD800  }
0x95: {  	_ =	sfence.sel $0x180000  }
0x96: {  	[bflag:$0x0] =	sbarrier.arrive $0xFFFF  }
0x97: {  	p0 =	sne.s32 s2, $0x0;
	_ =	strace $0x9000004A  }
0x98: {  	s0 =	sadd.s32 @!p0 $0x100000, s0;
	[bflag:$0x2] =	sbarrier.arrive $0xFFFF  }
0x99: {  	[sflag:s0] =	ssyncadd.tile.s32 @!p0 $0x1;
	_ =	shalt  }
.Lfunc_end2:
_tile_overlayer_lowered:
.L_overlay_start_2:
0x9a: {  	(tag) =	ssettag $0x2  }
0x9b: {  	s0 =	rddreg [dreg:$0x0];
	s2 =	stileid.u32  }
0x9c: {  	s1 =	rddreg [dreg:$0x1];
	p0 =	sne.s32 s2, $0x0  }
0x9d: {  	s3 =	rddreg [dreg:$0x2];
	[bflag:$0x3] =	sbarrier.arrive $0xFFFF;
	s2 =	simm.s32 @!p0 $0x1C01  }
0x9e: {  	[timem:s3], [sflag:s2] =	dma.local @!p0 [hbm:s0], s1  }
0x9f: {  	s0 =	simm.s32 @!p0 $0x1  }
0xa0: {  	_ =	swait.ge @!p0 [sflag:s0], s1  }
0xa1: {  	s1 =	ssub.s32 @!p0 $0x0, s1;
	[sflag:s0] =	ssyncset.done @!p0 $0x0  }
0xa2: {  	[sflag:s0] =	ssyncadd.s32 @!p0 s1  }
0xa3: {  	[bflag:$0x3] =	sbarrier.arrive $0xFFFF  }
0xa4: {  	_ =	shalt  }

</sc_bundles>
